<compile_context>
chip_gen: v7x
topology: tpu7x:2x2x1
jax: 0.10.2.dev20260603
libtpu: 0.0.44.dev20260713+nightly
codegen_flags: <defaults>
</compile_context>

<pallas_src>
import functools
import math

import jax
import jax.numpy as jnp
from jax import lax
from jax.experimental import pallas as pl
from jax.experimental.pallas import tpu as pltpu
from jax.experimental.pallas import tpu_sc as plsc

VOCAB = 100
EMBED = 512
B = 1024
S = 200
LANES = 16
NUM_CORES = 2
NUM_SUBCORES = 16
NW = NUM_CORES * NUM_SUBCORES
BPW = B // NW
C = 40
NSC = S // C
NT = NSC * BPW
GROUPS = EMBED // LANES
SCALE = math.sqrt(EMBED)


def _body(x_hbm, table_hbm, pe_hbm, out_hbm,
          idx_all, table_v, pe_sh, o0, o1, so0, so1, sf0, sf1):
    cid = lax.axis_index("c")
    sid = lax.axis_index("s")
    wid = sid * NUM_CORES + cid
    b0 = wid * BPW

    o = (o0, o1)
    so = (so0, so1)
    sf = (sf0, sf1)

    def s_base_of(t):
        return pl.multiple_of((t // BPW) * C, 8)

    def issue_prefill(t, p):
        pltpu.async_copy(pe_sh.at[pl.ds(s_base_of(t), C), :], o[p], sf[p])

    pltpu.sync_copy(x_hbm.at[pl.ds(pl.multiple_of(b0 * S, 8), BPW * S)],
                    idx_all.at[pl.ds(0, BPW * S)])
    pltpu.sync_copy(table_hbm, table_v)

    @pl.when(sid == 0)
    def _():
        pltpu.sync_copy(pe_hbm.at[pl.ds(0, S), :], pe_sh)

    @plsc.parallel_loop(0, VOCAB * EMBED, LANES)
    def _(i):
        sl = pl.ds(i, LANES)
        table_v[sl] = table_v[sl] * SCALE

    plsc.subcore_barrier()
    issue_prefill(0, 0)

    def pair(i, _):
        for p in (0, 1):
            t = 2 * i + p
            s_base = s_base_of(t)
            bi = lax.rem(t, BPW)
            b = b0 + bi

            pltpu.make_async_copy(
                pe_sh.at[pl.ds(0, C), :], o[p], sf[p]).wait()

            i_base = bi * S + s_base

            @plsc.parallel_loop(0, C)
            def _(r):
                iv = idx_all[pl.ds(i_base + r, LANES)]
                row = pl.multiple_of(iv[0] * EMBED, LANES)
                for j in range(GROUPS):
                    plsc.addupdate(
                        o[p].at[r, pl.ds(j * LANES, LANES)],
                        table_v[pl.ds(row + j * LANES, LANES)])

            pltpu.async_copy(o[p], out_hbm.at[b, pl.ds(s_base, C), :], so[p])

            @pl.when(t >= 1)
            def _():
                pltpu.make_async_copy(
                    o[1 - p], out_hbm.at[0, pl.ds(0, C), :], so[1 - p]).wait()

            @pl.when(t + 1 < NT)
            def _():
                issue_prefill(t + 1, 1 - p)
        return 0

    lax.fori_loop(0, NT // 2, pair, 0)

    pltpu.make_async_copy(
        o[(NT - 1) % 2], out_hbm.at[0, pl.ds(0, C), :],
        so[(NT - 1) % 2]).wait()


@jax.jit
def kernel(x, table, pe):
    run = functools.partial(
        pl.kernel,
        out_type=jax.ShapeDtypeStruct((B, S, EMBED), jnp.float32),
        mesh=plsc.VectorSubcoreMesh(core_axis_name="c", subcore_axis_name="s"),
        scratch_types=[
            pltpu.VMEM((BPW * S + LANES,), jnp.int32),
            pltpu.VMEM((VOCAB * EMBED,), jnp.float32),
            pltpu.VMEM_SHARED((S, EMBED), jnp.float32),
            pltpu.VMEM((C, EMBED), jnp.float32),
            pltpu.VMEM((C, EMBED), jnp.float32),
            pltpu.SemaphoreType.DMA,
            pltpu.SemaphoreType.DMA,
            pltpu.SemaphoreType.DMA,
            pltpu.SemaphoreType.DMA,
        ],
    )(_body)
    return run(x.reshape(B * S), table.reshape(VOCAB * EMBED), pe)

# --- scband reference (transcript-rebuilt; emitter-appended) ---
"""Pipeline reference for scband-embeddings-30150670418487 (READ-ONLY COPY).

The authoritative reference and input builder live on the scoring server;
editing this copy changes nothing except your own understanding.
"""

import jax, jax.numpy as jnp
import numpy as np
import math

VOCAB = 100
EMBED = 512
MAX_LEN = 200
B = 1024
S = 200
PAD_ID = 0


def _make_pe():
    # PositionalEmbedding buffer: pe[max_len+2, d_model]
    L = MAX_LEN + 2
    pe = np.zeros((L, EMBED), dtype=np.float32)
    position = np.arange(0, L, dtype=np.float32)[:, None]
    div_term = np.exp(np.arange(0, EMBED, 2, dtype=np.float32) * -(math.log(10000.0) / EMBED))
    pe[:, 0::2] = np.sin(position * div_term)
    pe[:, 1::2] = np.cos(position * div_term)
    return jnp.asarray(pe)


def setup_inputs(seed: int = 0) -> dict:
    key = jax.random.key(seed)
    k1, k2 = jax.random.split(key)
    # token indices in [0, VOCAB)
    x = jax.random.randint(k1, (B, S), 0, VOCAB, dtype=jnp.int32)
    # TokenEmbedding.init_weights: uniform(-0.1, 0.1) over the whole table
    # (overwrites the padding row too, matching torch .data.uniform_ after padding_idx init)
    table = jax.random.uniform(k2, (VOCAB, EMBED), minval=-0.1, maxval=0.1, dtype=jnp.float32)
    pe = _make_pe()
    return {"x": x, "table": table, "pe": pe}


def reference(x, table, pe):
    # token_embed = Embedding(x) * sqrt(embed_size)
    token_embed = jnp.take(table, x, axis=0) * math.sqrt(EMBED)
    # pos_embed = pe[:, :x.size(1)]  (broadcast over batch)
    pos_embed = pe[: x.shape[1], :][None, :, :]
    return token_embed + pos_embed

if __name__ == "__main__":
    import jax
    _d = setup_inputs()
    print(jax.jit(kernel)(*tuple(_d.values())))

</pallas_src>

<mosaic_0001>
#map = affine_map<(d0, d1) -> (0)>
#map1 = affine_map<(d0, d1) -> (0, 0)>
#map2 = affine_map<(d0, d1) -> (0, 0, 0)>
module attributes {stable_mosaic.version = 14 : i64} {
  func.func @_body(%arg0: i32, %arg1: i32, %arg2: memref<204800xi32, #tpu.memory_space<hbm>>, %arg3: memref<51200xf32, #tpu.memory_space<hbm>>, %arg4: memref<202x512xf32, #tpu.memory_space<hbm>>, %arg5: memref<1024x200x512xf32, #tpu.memory_space<hbm>>, %arg6: memref<6416xi32, #tpu.memory_space<vmem>>, %arg7: memref<51200xf32, #tpu.memory_space<vmem>>, %arg8: memref<200x512xf32, #tpu.memory_space<vmem_shared>>, %arg9: memref<40x512xf32, #tpu.memory_space<vmem>>, %arg10: memref<40x512xf32, #tpu.memory_space<vmem>>, %arg11: memref<!tpu.dma_semaphore, #tpu.memory_space<semaphore_mem>>, %arg12: memref<!tpu.dma_semaphore, #tpu.memory_space<semaphore_mem>>, %arg13: memref<!tpu.dma_semaphore, #tpu.memory_space<semaphore_mem>>, %arg14: memref<!tpu.dma_semaphore, #tpu.memory_space<semaphore_mem>>) attributes {dimension_semantics = [#tpu.dimension_semantics<core_parallel>, #tpu.dimension_semantics<subcore_parallel>], iteration_bounds = array<i64: 2, 16>, scalar_prefetch = 0 : i64, scratch_operands = 9 : i64, tpu.core_type = #tpu.core_type<sc_vector_subcore>, window_params = [{transform_indices = #map}, {transform_indices = #map}, {transform_indices = #map1}, {transform_indices = #map2}]} {
    %mul3A = arith.constant 2 : i32
    %mul3A_0 = arith.muli %arg1, %mul3A : i32
    %add3A = arith.addi %mul3A_0, %arg0 : i32
    %mul3A_1 = arith.constant 32 : i32
    %mul3A_2 = arith.muli %add3A, %mul3A_1 : i32
    %mul3A_3 = arith.constant 200 : i32
    %mul3A_4 = arith.muli %mul3A_2, %mul3A_3 : i32
    %multiple_of3A = tpu.assume_multiple %mul3A_4, 8 : i32
    "tpu.region"() ({
      %run_scoped3A = tpu.sem_alloc : memref<!tpu.dma_semaphore, #tpu.memory_space<semaphore_mem>>
      %dma_start3A_28 = arith.constant 0 : i32
      %dma_start3A_29 = tpu.memref_slice %arg6[%dma_start3A_28] : memref<6416xi32, #tpu.memory_space<vmem>> -> memref<6400xi32, #tpu.memory_space<vmem>>
      %dma_start3A_30 = tpu.memref_slice %arg2[%multiple_of3A] : memref<204800xi32, #tpu.memory_space<hbm>> -> memref<6400xi32, #tpu.memory_space<hbm>>
      %dma_start3A_31 = arith.constant 0 : i32
      %dma_start3A_32 = tpu.memref_slice %arg6[%dma_start3A_31] : memref<6416xi32, #tpu.memory_space<vmem>> -> memref<6400xi32, #tpu.memory_space<vmem>>
      %dma_start3A_33 = tpu.memref_slice %arg2[%multiple_of3A] : memref<204800xi32, #tpu.memory_space<hbm>> -> memref<6400xi32, #tpu.memory_space<hbm>>
      tpu.enqueue_dma source(%dma_start3A_33 : memref<6400xi32, #tpu.memory_space<hbm>>) target(%dma_start3A_32 : memref<6400xi32, #tpu.memory_space<vmem>>) target_semaphore(%run_scoped3A : memref<!tpu.dma_semaphore, #tpu.memory_space<semaphore_mem>>)
      %dma_wait3A_34 = arith.constant 0 : i32
      %dma_wait3A_35 = tpu.memref_slice %arg6[%dma_wait3A_34] : memref<6416xi32, #tpu.memory_space<vmem>> -> memref<6400xi32, #tpu.memory_space<vmem>>
      %dma_wait3A_36 = tpu.memref_slice %arg2[%multiple_of3A] : memref<204800xi32, #tpu.memory_space<hbm>> -> memref<6400xi32, #tpu.memory_space<hbm>>
      %dma_wait3A_37 = arith.constant 0 : i32
      %dma_wait3A_38 = tpu.memref_slice %arg6[%dma_wait3A_37] : memref<6416xi32, #tpu.memory_space<vmem>> -> memref<6400xi32, #tpu.memory_space<vmem>>
      %dma_wait3A_39 = tpu.memref_slice %arg2[%multiple_of3A] : memref<204800xi32, #tpu.memory_space<hbm>> -> memref<6400xi32, #tpu.memory_space<hbm>>
      tpu.wait_dma2 semaphore(%run_scoped3A : memref<!tpu.dma_semaphore, #tpu.memory_space<semaphore_mem>>) src(%dma_wait3A_39 : memref<6400xi32, #tpu.memory_space<hbm>>) dst(%dma_wait3A_38 : memref<6400xi32, #tpu.memory_space<vmem>>)
      tpu.yield
    }) : () -> ()
    "tpu.region"() ({
      %run_scoped3A = tpu.sem_alloc : memref<!tpu.dma_semaphore, #tpu.memory_space<semaphore_mem>>
      tpu.enqueue_dma source(%arg3 : memref<51200xf32, #tpu.memory_space<hbm>>) target(%arg7 : memref<51200xf32, #tpu.memory_space<vmem>>) target_semaphore(%run_scoped3A : memref<!tpu.dma_semaphore, #tpu.memory_space<semaphore_mem>>)
      tpu.wait_dma2 semaphore(%run_scoped3A : memref<!tpu.dma_semaphore, #tpu.memory_space<semaphore_mem>>) src(%arg3 : memref<51200xf32, #tpu.memory_space<hbm>>) dst(%arg7 : memref<51200xf32, #tpu.memory_space<vmem>>)
      tpu.yield
    }) : () -> ()
    %eq3A = arith.constant 0 : i32
    %eq3A_5 = arith.cmpi eq, %arg1, %eq3A : i32
    %convert_element_type3A = arith.extui %eq3A_5 : i1 to i32
    %cond3A = arith.constant 0 : i32
    %cond3A_6 = arith.cmpi ne, %convert_element_type3A, %cond3A : i32
    scf.if %cond3A_6 {
      "tpu.region"() ({
        %run_scoped3A = tpu.sem_alloc : memref<!tpu.dma_semaphore, #tpu.memory_space<semaphore_mem>>
        %dma_start3A_28 = arith.constant 0 : i32
        %dma_start3A_29 = arith.constant 0 : i32
        %dma_start3A_30 = tpu.memref_slice %arg4[%dma_start3A_28, %dma_start3A_29] : memref<202x512xf32, #tpu.memory_space<hbm>> -> memref<200x512xf32, #tpu.memory_space<hbm>>
        tpu.enqueue_dma source(%dma_start3A_30 : memref<200x512xf32, #tpu.memory_space<hbm>>) target(%arg8 : memref<200x512xf32, #tpu.memory_space<vmem_shared>>) target_semaphore(%run_scoped3A : memref<!tpu.dma_semaphore, #tpu.memory_space<semaphore_mem>>)
        %dma_wait3A_31 = arith.constant 0 : i32
        %dma_wait3A_32 = arith.constant 0 : i32
        %dma_wait3A_33 = tpu.memref_slice %arg4[%dma_wait3A_31, %dma_wait3A_32] : memref<202x512xf32, #tpu.memory_space<hbm>> -> memref<200x512xf32, #tpu.memory_space<hbm>>
        tpu.wait_dma2 semaphore(%run_scoped3A : memref<!tpu.dma_semaphore, #tpu.memory_space<semaphore_mem>>) src(%dma_wait3A_33 : memref<200x512xf32, #tpu.memory_space<hbm>>) dst(%arg8 : memref<200x512xf32, #tpu.memory_space<vmem_shared>>)
        tpu.yield
      }) : () -> ()
    } else {
    }
    %parallel_loop3A = arith.constant 0 : i32
    %parallel_loop3A_7 = arith.constant 51200 : i32
    %parallel_loop3A_8 = arith.constant 16 : i32
    scf.for %parallel_loop3A_28 = %parallel_loop3A to %parallel_loop3A_7 step %parallel_loop3A_8  : i32 {
      %parallel_loop3A_29 = arith.index_cast %parallel_loop3A_28 : i32 to index
      %parallel_loop3A_30 = tpu.vector_load %arg7[%parallel_loop3A_29] {strides = array<i32>} : memref<51200xf32, #tpu.memory_space<vmem>>, vector<16xf32>,
      %parallel_loop3A_31 = vector.shape_cast %parallel_loop3A_30 : vector<16xf32> to vector<16xf32>
      %parallel_loop3A_32 = arith.constant 22.6274166 : f32
      %parallel_loop3A_33 = vector.broadcast %parallel_loop3A_32 : f32 to vector<16xf32>
      %parallel_loop3A_34 = arith.mulf %parallel_loop3A_31, %parallel_loop3A_33 : vector<16xf32>
      %parallel_loop3A_35 = arith.index_cast %parallel_loop3A_28 : i32 to index
      %parallel_loop3A_36 = tpu.vector_load %arg7[%parallel_loop3A_35] {strides = array<i32>} : memref<51200xf32, #tpu.memory_space<vmem>>, vector<16xf32>,
      %parallel_loop3A_37 = vector.shape_cast %parallel_loop3A_36 : vector<16xf32> to vector<16xf32>
      %parallel_loop3A_38 = vector.shape_cast %parallel_loop3A_34 : vector<16xf32> to vector<16xf32>
      tpu.vector_store %arg7[%parallel_loop3A_35], %parallel_loop3A_38 {strides = array<i32>} : memref<51200xf32, #tpu.memory_space<vmem>>, vector<16xf32>,
    } {sc.loop_unroll_factor = 1 : i64, sc.parallel_access}
    %barrier3A = arith.constant 0 : index
    tpu.barrier barrier_id(%barrier3A)
    %multiple_of3A_9 = arith.constant 0 : i32
    %multiple_of3A_10 = tpu.assume_multiple %multiple_of3A_9, 8 : i32
    %dma_start3A = arith.constant 0 : i32
    %dma_start3A_11 = tpu.memref_slice %arg8[%multiple_of3A_10, %dma_start3A] : memref<200x512xf32, #tpu.memory_space<vmem_shared>> -> memref<40x512xf32, #tpu.memory_space<vmem_shared>>
    %dma_start3A_12 = arith.constant 0 : i32
    %dma_start3A_13 = tpu.memref_slice %arg8[%multiple_of3A_10, %dma_start3A_12] : memref<200x512xf32, #tpu.memory_space<vmem_shared>> -> memref<40x512xf32, #tpu.memory_space<vmem_shared>>
    tpu.enqueue_dma source(%dma_start3A_13 : memref<40x512xf32, #tpu.memory_space<vmem_shared>>) target(%arg9 : memref<40x512xf32, #tpu.memory_space<vmem>>) target_semaphore(%arg13 : memref<!tpu.dma_semaphore, #tpu.memory_space<semaphore_mem>>)
    %scan3A = arith.constant 0 : i32
    %scan3A_14 = arith.constant 0 : i32
    %scan3A_15 = arith.constant 80 : i32
    %scan3A_16 = arith.addi %scan3A_14, %scan3A_15 : i32
    %scan3A_17 = arith.constant 1 : i32
    %scan3A_18 = scf.for %scan3A_28 = %scan3A_14 to %scan3A_16 step %scan3A_17 iter_args(%scan3A_29 = %scan3A) -> (i32)  : i32 {
      %mul3A_30 = arith.constant 2 : i32
      %mul3A_31 = arith.muli %mul3A_30, %scan3A_28 : i32
      %add3A_32 = arith.constant 0 : i32
      %add3A_33 = arith.addi %mul3A_31, %add3A_32 : i32
      %jit3A = arith.constant 32 : i32
      %div3A = arith.divsi %add3A_33, %jit3A : i32
      %sign3A = arith.constant 0 : i32
      %sign3A_34 = arith.cmpi sgt, %add3A_33, %sign3A : i32
      %sign3A_35 = arith.extui %sign3A_34 : i1 to i32
      %sign3A_36 = arith.constant 0 : i32
      %sign3A_37 = arith.cmpi slt, %add3A_33, %sign3A_36 : i32
      %sign3A_38 = arith.extui %sign3A_37 : i1 to i32
      %sign3A_39 = arith.subi %sign3A_35, %sign3A_38 : i32
      %sign3A_40 = arith.constant 0 : i32
      %sign3A_41 = arith.cmpi sgt, %jit3A, %sign3A_40 : i32
      %sign3A_42 = arith.extui %sign3A_41 : i1 to i32
      %sign3A_43 = arith.constant 0 : i32
      %sign3A_44 = arith.cmpi slt, %jit3A, %sign3A_43 : i32
      %sign3A_45 = arith.extui %sign3A_44 : i1 to i32
      %sign3A_46 = arith.subi %sign3A_42, %sign3A_45 : i32
      %ne3A = arith.cmpi ne, %sign3A_39, %sign3A_46 : i32
      %rem3A = arith.remsi %add3A_33, %jit3A : i32
      %ne3A_47 = arith.constant 0 : i32
      %ne3A_48 = arith.cmpi ne, %rem3A, %ne3A_47 : i32
      %and3A = arith.andi %ne3A, %ne3A_48 : i1
      %sub3A = arith.constant 1 : i32
      %sub3A_49 = arith.subi %div3A, %sub3A : i32
      %select_n3A = arith.select %and3A, %sub3A_49, %div3A : i32
      %mul3A_50 = arith.constant 40 : i32
      %mul3A_51 = arith.muli %select_n3A, %mul3A_50 : i32
      %multiple_of3A_52 = tpu.assume_multiple %mul3A_51, 8 : i32
      %rem3A_53 = arith.constant 32 : i32
      %rem3A_54 = arith.remsi %add3A_33, %rem3A_53 : i32
      %add3A_55 = arith.addi %mul3A_2, %rem3A_54 : i32
      %dma_wait3A_56 = arith.constant 0 : i32
      %dma_wait3A_57 = arith.constant 0 : i32
      %dma_wait3A_58 = tpu.memref_slice %arg8[%dma_wait3A_56, %dma_wait3A_57] : memref<200x512xf32, #tpu.memory_space<vmem_shared>> -> memref<40x512xf32, #tpu.memory_space<vmem_shared>>
      %dma_wait3A_59 = arith.constant 0 : i32
      %dma_wait3A_60 = arith.constant 0 : i32
      %dma_wait3A_61 = tpu.memref_slice %arg8[%dma_wait3A_59, %dma_wait3A_60] : memref<200x512xf32, #tpu.memory_space<vmem_shared>> -> memref<40x512xf32, #tpu.memory_space<vmem_shared>>
      tpu.wait_dma2 semaphore(%arg13 : memref<!tpu.dma_semaphore, #tpu.memory_space<semaphore_mem>>) src(%dma_wait3A_61 : memref<40x512xf32, #tpu.memory_space<vmem_shared>>) dst(%arg9 : memref<40x512xf32, #tpu.memory_space<vmem>>)
      %mul3A_62 = arith.constant 200 : i32
      %mul3A_63 = arith.muli %rem3A_54, %mul3A_62 : i32
      %add3A_64 = arith.addi %mul3A_63, %multiple_of3A_52 : i32
      %parallel_loop3A_65 = arith.constant 0 : i32
      %parallel_loop3A_66 = arith.constant 40 : i32
      %parallel_loop3A_67 = arith.constant 1 : i32
      scf.for %parallel_loop3A_149 = %parallel_loop3A_65 to %parallel_loop3A_66 step %parallel_loop3A_67  : i32 {
        %parallel_loop3A_150 = arith.addi %add3A_64, %parallel_loop3A_149 : i32
        %parallel_loop3A_151 = arith.index_cast %parallel_loop3A_150 : i32 to index
        %parallel_loop3A_152 = tpu.vector_load %arg6[%parallel_loop3A_151] {strides = array<i32>} : memref<6416xi32, #tpu.memory_space<vmem>>, vector<16xi32>,
        %parallel_loop3A_153 = vector.shape_cast %parallel_loop3A_152 : vector<16xi32> to vector<16xi32>
        %parallel_loop3A_154 = vector.extract_strided_slice %parallel_loop3A_153 {offsets = [0], sizes = [1], strides = [1]} : vector<16xi32> to vector<1xi32>
        %parallel_loop3A_155 = vector.extract %parallel_loop3A_154[0] : i32 from vector<1xi32>
        %parallel_loop3A_156 = arith.constant 512 : i32
        %parallel_loop3A_157 = arith.muli %parallel_loop3A_155, %parallel_loop3A_156 : i32
        %parallel_loop3A_158 = tpu.assume_multiple %parallel_loop3A_157, 16 : i32
        %parallel_loop3A_159 = arith.constant 0 : i32
        %parallel_loop3A_160 = arith.addi %parallel_loop3A_158, %parallel_loop3A_159 : i32
        %parallel_loop3A_161 = arith.index_cast %parallel_loop3A_160 : i32 to index
        %parallel_loop3A_162 = tpu.vector_load %arg7[%parallel_loop3A_161] {strides = array<i32>} : memref<51200xf32, #tpu.memory_space<vmem>>, vector<16xf32>,
        %parallel_loop3A_163 = vector.shape_cast %parallel_loop3A_162 : vector<16xf32> to vector<16xf32>
        %parallel_loop3A_164 = arith.index_cast %parallel_loop3A_149 : i32 to index
        %parallel_loop3A_165 = arith.constant 0 : index
        %parallel_loop3A_166 = tpu.vector_load %arg9[%parallel_loop3A_164, %parallel_loop3A_165] {strides = array<i32>} : memref<40x512xf32, #tpu.memory_space<vmem>>, vector<1x16xf32>,
        %parallel_loop3A_167 = vector.shape_cast %parallel_loop3A_166 : vector<1x16xf32> to vector<16xf32>
        %parallel_loop3A_168 = vector.shape_cast %parallel_loop3A_163 : vector<16xf32> to vector<1x16xf32>
        tpu.vector_store %arg9[%parallel_loop3A_164, %parallel_loop3A_165], %parallel_loop3A_168 {add = true, strides = array<i32>} : memref<40x512xf32, #tpu.memory_space<vmem>>, vector<1x16xf32>,
        %parallel_loop3A_169 = arith.constant 16 : i32
        %parallel_loop3A_170 = arith.addi %parallel_loop3A_158, %parallel_loop3A_169 : i32
        %parallel_loop3A_171 = arith.index_cast %parallel_loop3A_170 : i32 to index
        %parallel_loop3A_172 = tpu.vector_load %arg7[%parallel_loop3A_171] {strides = array<i32>} : memref<51200xf32, #tpu.memory_space<vmem>>, vector<16xf32>,
        %parallel_loop3A_173 = vector.shape_cast %parallel_loop3A_172 : vector<16xf32> to vector<16xf32>
        %parallel_loop3A_174 = arith.index_cast %parallel_loop3A_149 : i32 to index
        %parallel_loop3A_175 = arith.constant 16 : index
        %parallel_loop3A_176 = tpu.vector_load %arg9[%parallel_loop3A_174, %parallel_loop3A_175] {strides = array<i32>} : memref<40x512xf32, #tpu.memory_space<vmem>>, vector<1x16xf32>,
        %parallel_loop3A_177 = vector.shape_cast %parallel_loop3A_176 : vector<1x16xf32> to vector<16xf32>
        %parallel_loop3A_178 = vector.shape_cast %parallel_loop3A_173 : vector<16xf32> to vector<1x16xf32>
        tpu.vector_store %arg9[%parallel_loop3A_174, %parallel_loop3A_175], %parallel_loop3A_178 {add = true, strides = array<i32>} : memref<40x512xf32, #tpu.memory_space<vmem>>, vector<1x16xf32>,
        %parallel_loop3A_179 = arith.constant 32 : i32
        %parallel_loop3A_180 = arith.addi %parallel_loop3A_158, %parallel_loop3A_179 : i32
        %parallel_loop3A_181 = arith.index_cast %parallel_loop3A_180 : i32 to index
        %parallel_loop3A_182 = tpu.vector_load %arg7[%parallel_loop3A_181] {strides = array<i32>} : memref<51200xf32, #tpu.memory_space<vmem>>, vector<16xf32>,
        %parallel_loop3A_183 = vector.shape_cast %parallel_loop3A_182 : vector<16xf32> to vector<16xf32>
        %parallel_loop3A_184 = arith.index_cast %parallel_loop3A_149 : i32 to index
        %parallel_loop3A_185 = arith.constant 32 : index
        %parallel_loop3A_186 = tpu.vector_load %arg9[%parallel_loop3A_184, %parallel_loop3A_185] {strides = array<i32>} : memref<40x512xf32, #tpu.memory_space<vmem>>, vector<1x16xf32>,
        %parallel_loop3A_187 = vector.shape_cast %parallel_loop3A_186 : vector<1x16xf32> to vector<16xf32>
        %parallel_loop3A_188 = vector.shape_cast %parallel_loop3A_183 : vector<16xf32> to vector<1x16xf32>
        tpu.vector_store %arg9[%parallel_loop3A_184, %parallel_loop3A_185], %parallel_loop3A_188 {add = true, strides = array<i32>} : memref<40x512xf32, #tpu.memory_space<vmem>>, vector<1x16xf32>,
        %parallel_loop3A_189 = arith.constant 48 : i32
        %parallel_loop3A_190 = arith.addi %parallel_loop3A_158, %parallel_loop3A_189 : i32
        %parallel_loop3A_191 = arith.index_cast %parallel_loop3A_190 : i32 to index
        %parallel_loop3A_192 = tpu.vector_load %arg7[%parallel_loop3A_191] {strides = array<i32>} : memref<51200xf32, #tpu.memory_space<vmem>>, vector<16xf32>,
        %parallel_loop3A_193 = vector.shape_cast %parallel_loop3A_192 : vector<16xf32> to vector<16xf32>
        %parallel_loop3A_194 = arith.index_cast %parallel_loop3A_149 : i32 to index
        %parallel_loop3A_195 = arith.constant 48 : index
        %parallel_loop3A_196 = tpu.vector_load %arg9[%parallel_loop3A_194, %parallel_loop3A_195] {strides = array<i32>} : memref<40x512xf32, #tpu.memory_space<vmem>>, vector<1x16xf32>,
        %parallel_loop3A_197 = vector.shape_cast %parallel_loop3A_196 : vector<1x16xf32> to vector<16xf32>
        %parallel_loop3A_198 = vector.shape_cast %parallel_loop3A_193 : vector<16xf32> to vector<1x16xf32>
        tpu.vector_store %arg9[%parallel_loop3A_194, %parallel_loop3A_195], %parallel_loop3A_198 {add = true, strides = array<i32>} : memref<40x512xf32, #tpu.memory_space<vmem>>, vector<1x16xf32>,
        %parallel_loop3A_199 = arith.constant 64 : i32
        %parallel_loop3A_200 = arith.addi %parallel_loop3A_158, %parallel_loop3A_199 : i32
        %parallel_loop3A_201 = arith.index_cast %parallel_loop3A_200 : i32 to index
        %parallel_loop3A_202 = tpu.vector_load %arg7[%parallel_loop3A_201] {strides = array<i32>} : memref<51200xf32, #tpu.memory_space<vmem>>, vector<16xf32>,
        %parallel_loop3A_203 = vector.shape_cast %parallel_loop3A_202 : vector<16xf32> to vector<16xf32>
        %parallel_loop3A_204 = arith.index_cast %parallel_loop3A_149 : i32 to index
        %parallel_loop3A_205 = arith.constant 64 : index
        %parallel_loop3A_206 = tpu.vector_load %arg9[%parallel_loop3A_204, %parallel_loop3A_205] {strides = array<i32>} : memref<40x512xf32, #tpu.memory_space<vmem>>, vector<1x16xf32>,
        %parallel_loop3A_207 = vector.shape_cast %parallel_loop3A_206 : vector<1x16xf32> to vector<16xf32>
        %parallel_loop3A_208 = vector.shape_cast %parallel_loop3A_203 : vector<16xf32> to vector<1x16xf32>
        tpu.vector_store %arg9[%parallel_loop3A_204, %parallel_loop3A_205], %parallel_loop3A_208 {add = true, strides = array<i32>} : memref<40x512xf32, #tpu.memory_space<vmem>>, vector<1x16xf32>,
        %parallel_loop3A_209 = arith.constant 80 : i32
        %parallel_loop3A_210 = arith.addi %parallel_loop3A_158, %parallel_loop3A_209 : i32
        %parallel_loop3A_211 = arith.index_cast %parallel_loop3A_210 : i32 to index
        %parallel_loop3A_212 = tpu.vector_load %arg7[%parallel_loop3A_211] {strides = array<i32>} : memref<51200xf32, #tpu.memory_space<vmem>>, vector<16xf32>,
        %parallel_loop3A_213 = vector.shape_cast %parallel_loop3A_212 : vector<16xf32> to vector<16xf32>
        %parallel_loop3A_214 = arith.index_cast %parallel_loop3A_149 : i32 to index
        %parallel_loop3A_215 = arith.constant 80 : index
        %parallel_loop3A_216 = tpu.vector_load %arg9[%parallel_loop3A_214, %parallel_loop3A_215] {strides = array<i32>} : memref<40x512xf32, #tpu.memory_space<vmem>>, vector<1x16xf32>,
        %parallel_loop3A_217 = vector.shape_cast %parallel_loop3A_216 : vector<1x16xf32> to vector<16xf32>
        %parallel_loop3A_218 = vector.shape_cast %parallel_loop3A_213 : vector<16xf32> to vector<1x16xf32>
        tpu.vector_store %arg9[%parallel_loop3A_214, %parallel_loop3A_215], %parallel_loop3A_218 {add = true, strides = array<i32>} : memref<40x512xf32, #tpu.memory_space<vmem>>, vector<1x16xf32>,
        %parallel_loop3A_219 = arith.constant 96 : i32
        %parallel_loop3A_220 = arith.addi %parallel_loop3A_158, %parallel_loop3A_219 : i32
        %parallel_loop3A_221 = arith.index_cast %parallel_loop3A_220 : i32 to index
        %parallel_loop3A_222 = tpu.vector_load %arg7[%parallel_loop3A_221] {strides = array<i32>} : memref<51200xf32, #tpu.memory_space<vmem>>, vector<16xf32>,
        %parallel_loop3A_223 = vector.shape_cast %parallel_loop3A_222 : vector<16xf32> to vector<16xf32>
        %parallel_loop3A_224 = arith.index_cast %parallel_loop3A_149 : i32 to index
        %parallel_loop3A_225 = arith.constant 96 : index
        %parallel_loop3A_226 = tpu.vector_load %arg9[%parallel_loop3A_224, %parallel_loop3A_225] {strides = array<i32>} : memref<40x512xf32, #tpu.memory_space<vmem>>, vector<1x16xf32>,
        %parallel_loop3A_227 = vector.shape_cast %parallel_loop3A_226 : vector<1x16xf32> to vector<16xf32>
        %parallel_loop3A_228 = vector.shape_cast %parallel_loop3A_223 : vector<16xf32> to vector<1x16xf32>
        tpu.vector_store %arg9[%parallel_loop3A_224, %parallel_loop3A_225], %parallel_loop3A_228 {add = true, strides = array<i32>} : memref<40x512xf32, #tpu.memory_space<vmem>>, vector<1x16xf32>,
        %parallel_loop3A_229 = arith.constant 112 : i32
        %parallel_loop3A_230 = arith.addi %parallel_loop3A_158, %parallel_loop3A_229 : i32
        %parallel_loop3A_231 = arith.index_cast %parallel_loop3A_230 : i32 to index
        %parallel_loop3A_232 = tpu.vector_load %arg7[%parallel_loop3A_231] {strides = array<i32>} : memref<51200xf32, #tpu.memory_space<vmem>>, vector<16xf32>,
        %parallel_loop3A_233 = vector.shape_cast %parallel_loop3A_232 : vector<16xf32> to vector<16xf32>
        %parallel_loop3A_234 = arith.index_cast %parallel_loop3A_149 : i32 to index
        %parallel_loop3A_235 = arith.constant 112 : index
        %parallel_loop3A_236 = tpu.vector_load %arg9[%parallel_loop3A_234, %parallel_loop3A_235] {strides = array<i32>} : memref<40x512xf32, #tpu.memory_space<vmem>>, vector<1x16xf32>,
        %parallel_loop3A_237 = vector.shape_cast %parallel_loop3A_236 : vector<1x16xf32> to vector<16xf32>
        %parallel_loop3A_238 = vector.shape_cast %parallel_loop3A_233 : vector<16xf32> to vector<1x16xf32>
        tpu.vector_store %arg9[%parallel_loop3A_234, %parallel_loop3A_235], %parallel_loop3A_238 {add = true, strides = array<i32>} : memref<40x512xf32, #tpu.memory_space<vmem>>, vector<1x16xf32>,
        %parallel_loop3A_239 = arith.constant 128 : i32
        %parallel_loop3A_240 = arith.addi %parallel_loop3A_158, %parallel_loop3A_239 : i32
        %parallel_loop3A_241 = arith.index_cast %parallel_loop3A_240 : i32 to index
        %parallel_loop3A_242 = tpu.vector_load %arg7[%parallel_loop3A_241] {strides = array<i32>} : memref<51200xf32, #tpu.memory_space<vmem>>, vector<16xf32>,
        %parallel_loop3A_243 = vector.shape_cast %parallel_loop3A_242 : vector<16xf32> to vector<16xf32>
        %parallel_loop3A_244 = arith.index_cast %parallel_loop3A_149 : i32 to index
        %parallel_loop3A_245 = arith.constant 128 : index
        %parallel_loop3A_246 = tpu.vector_load %arg9[%parallel_loop3A_244, %parallel_loop3A_245] {strides = array<i32>} : memref<40x512xf32, #tpu.memory_space<vmem>>, vector<1x16xf32>,
        %parallel_loop3A_247 = vector.shape_cast %parallel_loop3A_246 : vector<1x16xf32> to vector<16xf32>
        %parallel_loop3A_248 = vector.shape_cast %parallel_loop3A_243 : vector<16xf32> to vector<1x16xf32>
        tpu.vector_store %arg9[%parallel_loop3A_244, %parallel_loop3A_245], %parallel_loop3A_248 {add = true, strides = array<i32>} : memref<40x512xf32, #tpu.memory_space<vmem>>, vector<1x16xf32>,
        %parallel_loop3A_249 = arith.constant 144 : i32
        %parallel_loop3A_250 = arith.addi %parallel_loop3A_158, %parallel_loop3A_249 : i32
        %parallel_loop3A_251 = arith.index_cast %parallel_loop3A_250 : i32 to index
        %parallel_loop3A_252 = tpu.vector_load %arg7[%parallel_loop3A_251] {strides = array<i32>} : memref<51200xf32, #tpu.memory_space<vmem>>, vector<16xf32>,
        %parallel_loop3A_253 = vector.shape_cast %parallel_loop3A_252 : vector<16xf32> to vector<16xf32>
        %parallel_loop3A_254 = arith.index_cast %parallel_loop3A_149 : i32 to index
        %parallel_loop3A_255 = arith.constant 144 : index
        %parallel_loop3A_256 = tpu.vector_load %arg9[%parallel_loop3A_254, %parallel_loop3A_255] {strides = array<i32>} : memref<40x512xf32, #tpu.memory_space<vmem>>, vector<1x16xf32>,
        %parallel_loop3A_257 = vector.shape_cast %parallel_loop3A_256 : vector<1x16xf32> to vector<16xf32>
        %parallel_loop3A_258 = vector.shape_cast %parallel_loop3A_253 : vector<16xf32> to vector<1x16xf32>
        tpu.vector_store %arg9[%parallel_loop3A_254, %parallel_loop3A_255], %parallel_loop3A_258 {add = true, strides = array<i32>} : memref<40x512xf32, #tpu.memory_space<vmem>>, vector<1x16xf32>,
        %parallel_loop3A_259 = arith.constant 160 : i32
        %parallel_loop3A_260 = arith.addi %parallel_loop3A_158, %parallel_loop3A_259 : i32
        %parallel_loop3A_261 = arith.index_cast %parallel_loop3A_260 : i32 to index
        %parallel_loop3A_262 = tpu.vector_load %arg7[%parallel_loop3A_261] {strides = array<i32>} : memref<51200xf32, #tpu.memory_space<vmem>>, vector<16xf32>,
        %parallel_loop3A_263 = vector.shape_cast %parallel_loop3A_262 : vector<16xf32> to vector<16xf32>
        %parallel_loop3A_264 = arith.index_cast %parallel_loop3A_149 : i32 to index
        %parallel_loop3A_265 = arith.constant 160 : index
        %parallel_loop3A_266 = tpu.vector_load %arg9[%parallel_loop3A_264, %parallel_loop3A_265] {strides = array<i32>} : memref<40x512xf32, #tpu.memory_space<vmem>>, vector<1x16xf32>,
        %parallel_loop3A_267 = vector.shape_cast %parallel_loop3A_266 : vector<1x16xf32> to vector<16xf32>
        %parallel_loop3A_268 = vector.shape_cast %parallel_loop3A_263 : vector<16xf32> to vector<1x16xf32>
        tpu.vector_store %arg9[%parallel_loop3A_264, %parallel_loop3A_265], %parallel_loop3A_268 {add = true, strides = array<i32>} : memref<40x512xf32, #tpu.memory_space<vmem>>, vector<1x16xf32>,
        %parallel_loop3A_269 = arith.constant 176 : i32
        %parallel_loop3A_270 = arith.addi %parallel_loop3A_158, %parallel_loop3A_269 : i32
        %parallel_loop3A_271 = arith.index_cast %parallel_loop3A_270 : i32 to index
        %parallel_loop3A_272 = tpu.vector_load %arg7[%parallel_loop3A_271] {strides = array<i32>} : memref<51200xf32, #tpu.memory_space<vmem>>, vector<16xf32>,
        %parallel_loop3A_273 = vector.shape_cast %parallel_loop3A_272 : vector<16xf32> to vector<16xf32>
        %parallel_loop3A_274 = arith.index_cast %parallel_loop3A_149 : i32 to index
        %parallel_loop3A_275 = arith.constant 176 : index
        %parallel_loop3A_276 = tpu.vector_load %arg9[%parallel_loop3A_274, %parallel_loop3A_275] {strides = array<i32>} : memref<40x512xf32, #tpu.memory_space<vmem>>, vector<1x16xf32>,
        %parallel_loop3A_277 = vector.shape_cast %parallel_loop3A_276 : vector<1x16xf32> to vector<16xf32>
        %parallel_loop3A_278 = vector.shape_cast %parallel_loop3A_273 : vector<16xf32> to vector<1x16xf32>
        tpu.vector_store %arg9[%parallel_loop3A_274, %parallel_loop3A_275], %parallel_loop3A_278 {add = true, strides = array<i32>} : memref<40x512xf32, #tpu.memory_space<vmem>>, vector<1x16xf32>,
        %parallel_loop3A_279 = arith.constant 192 : i32
        %parallel_loop3A_280 = arith.addi %parallel_loop3A_158, %parallel_loop3A_279 : i32
        %parallel_loop3A_281 = arith.index_cast %parallel_loop3A_280 : i32 to index
        %parallel_loop3A_282 = tpu.vector_load %arg7[%parallel_loop3A_281] {strides = array<i32>} : memref<51200xf32, #tpu.memory_space<vmem>>, vector<16xf32>,
        %parallel_loop3A_283 = vector.shape_cast %parallel_loop3A_282 : vector<16xf32> to vector<16xf32>
        %parallel_loop3A_284 = arith.index_cast %parallel_loop3A_149 : i32 to index
        %parallel_loop3A_285 = arith.constant 192 : index
        %parallel_loop3A_286 = tpu.vector_load %arg9[%parallel_loop3A_284, %parallel_loop3A_285] {strides = array<i32>} : memref<40x512xf32, #tpu.memory_space<vmem>>, vector<1x16xf32>,
        %parallel_loop3A_287 = vector.shape_cast %parallel_loop3A_286 : vector<1x16xf32> to vector<16xf32>
        %parallel_loop3A_288 = vector.shape_cast %parallel_loop3A_283 : vector<16xf32> to vector<1x16xf32>
        tpu.vector_store %arg9[%parallel_loop3A_284, %parallel_loop3A_285], %parallel_loop3A_288 {add = true, strides = array<i32>} : memref<40x512xf32, #tpu.memory_space<vmem>>, vector<1x16xf32>,
        %parallel_loop3A_289 = arith.constant 208 : i32
        %parallel_loop3A_290 = arith.addi %parallel_loop3A_158, %parallel_loop3A_289 : i32
        %parallel_loop3A_291 = arith.index_cast %parallel_loop3A_290 : i32 to index
        %parallel_loop3A_292 = tpu.vector_load %arg7[%parallel_loop3A_291] {strides = array<i32>} : memref<51200xf32, #tpu.memory_space<vmem>>, vector<16xf32>,
        %parallel_loop3A_293 = vector.shape_cast %parallel_loop3A_292 : vector<16xf32> to vector<16xf32>
        %parallel_loop3A_294 = arith.index_cast %parallel_loop3A_149 : i32 to index
        %parallel_loop3A_295 = arith.constant 208 : index
        %parallel_loop3A_296 = tpu.vector_load %arg9[%parallel_loop3A_294, %parallel_loop3A_295] {strides = array<i32>} : memref<40x512xf32, #tpu.memory_space<vmem>>, vector<1x16xf32>,
        %parallel_loop3A_297 = vector.shape_cast %parallel_loop3A_296 : vector<1x16xf32> to vector<16xf32>
        %parallel_loop3A_298 = vector.shape_cast %parallel_loop3A_293 : vector<16xf32> to vector<1x16xf32>
        tpu.vector_store %arg9[%parallel_loop3A_294, %parallel_loop3A_295], %parallel_loop3A_298 {add = true, strides = array<i32>} : memref<40x512xf32, #tpu.memory_space<vmem>>, vector<1x16xf32>,
        %parallel_loop3A_299 = arith.constant 224 : i32
        %parallel_loop3A_300 = arith.addi %parallel_loop3A_158, %parallel_loop3A_299 : i32
        %parallel_loop3A_301 = arith.index_cast %parallel_loop3A_300 : i32 to index
        %parallel_loop3A_302 = tpu.vector_load %arg7[%parallel_loop3A_301] {strides = array<i32>} : memref<51200xf32, #tpu.memory_space<vmem>>, vector<16xf32>,
        %parallel_loop3A_303 = vector.shape_cast %parallel_loop3A_302 : vector<16xf32> to vector<16xf32>
        %parallel_loop3A_304 = arith.index_cast %parallel_loop3A_149 : i32 to index
        %parallel_loop3A_305 = arith.constant 224 : index
        %parallel_loop3A_306 = tpu.vector_load %arg9[%parallel_loop3A_304, %parallel_loop3A_305] {strides = array<i32>} : memref<40x512xf32, #tpu.memory_space<vmem>>, vector<1x16xf32>,
        %parallel_loop3A_307 = vector.shape_cast %parallel_loop3A_306 : vector<1x16xf32> to vector<16xf32>
        %parallel_loop3A_308 = vector.shape_cast %parallel_loop3A_303 : vector<16xf32> to vector<1x16xf32>
        tpu.vector_store %arg9[%parallel_loop3A_304, %parallel_loop3A_305], %parallel_loop3A_308 {add = true, strides = array<i32>} : memref<40x512xf32, #tpu.memory_space<vmem>>, vector<1x16xf32>,
        %parallel_loop3A_309 = arith.constant 240 : i32
        %parallel_loop3A_310 = arith.addi %parallel_loop3A_158, %parallel_loop3A_309 : i32
        %parallel_loop3A_311 = arith.index_cast %parallel_loop3A_310 : i32 to index
        %parallel_loop3A_312 = tpu.vector_load %arg7[%parallel_loop3A_311] {strides = array<i32>} : memref<51200xf32, #tpu.memory_space<vmem>>, vector<16xf32>,
        %parallel_loop3A_313 = vector.shape_cast %parallel_loop3A_312 : vector<16xf32> to vector<16xf32>
        %parallel_loop3A_314 = arith.index_cast %parallel_loop3A_149 : i32 to index
        %parallel_loop3A_315 = arith.constant 240 : index
        %parallel_loop3A_316 = tpu.vector_load %arg9[%parallel_loop3A_314, %parallel_loop3A_315] {strides = array<i32>} : memref<40x512xf32, #tpu.memory_space<vmem>>, vector<1x16xf32>,
        %parallel_loop3A_317 = vector.shape_cast %parallel_loop3A_316 : vector<1x16xf32> to vector<16xf32>
        %parallel_loop3A_318 = vector.shape_cast %parallel_loop3A_313 : vector<16xf32> to vector<1x16xf32>
        tpu.vector_store %arg9[%parallel_loop3A_314, %parallel_loop3A_315], %parallel_loop3A_318 {add = true, strides = array<i32>} : memref<40x512xf32, #tpu.memory_space<vmem>>, vector<1x16xf32>,
        %parallel_loop3A_319 = arith.constant 256 : i32
        %parallel_loop3A_320 = arith.addi %parallel_loop3A_158, %parallel_loop3A_319 : i32
        %parallel_loop3A_321 = arith.index_cast %parallel_loop3A_320 : i32 to index
        %parallel_loop3A_322 = tpu.vector_load %arg7[%parallel_loop3A_321] {strides = array<i32>} : memref<51200xf32, #tpu.memory_space<vmem>>, vector<16xf32>,
        %parallel_loop3A_323 = vector.shape_cast %parallel_loop3A_322 : vector<16xf32> to vector<16xf32>
        %parallel_loop3A_324 = arith.index_cast %parallel_loop3A_149 : i32 to index
        %parallel_loop3A_325 = arith.constant 256 : index
        %parallel_loop3A_326 = tpu.vector_load %arg9[%parallel_loop3A_324, %parallel_loop3A_325] {strides = array<i32>} : memref<40x512xf32, #tpu.memory_space<vmem>>, vector<1x16xf32>,
        %parallel_loop3A_327 = vector.shape_cast %parallel_loop3A_326 : vector<1x16xf32> to vector<16xf32>
        %parallel_loop3A_328 = vector.shape_cast %parallel_loop3A_323 : vector<16xf32> to vector<1x16xf32>
        tpu.vector_store %arg9[%parallel_loop3A_324, %parallel_loop3A_325], %parallel_loop3A_328 {add = true, strides = array<i32>} : memref<40x512xf32, #tpu.memory_space<vmem>>, vector<1x16xf32>,
        %parallel_loop3A_329 = arith.constant 272 : i32
        %parallel_loop3A_330 = arith.addi %parallel_loop3A_158, %parallel_loop3A_329 : i32
        %parallel_loop3A_331 = arith.index_cast %parallel_loop3A_330 : i32 to index
        %parallel_loop3A_332 = tpu.vector_load %arg7[%parallel_loop3A_331] {strides = array<i32>} : memref<51200xf32, #tpu.memory_space<vmem>>, vector<16xf32>,
        %parallel_loop3A_333 = vector.shape_cast %parallel_loop3A_332 : vector<16xf32> to vector<16xf32>
        %parallel_loop3A_334 = arith.index_cast %parallel_loop3A_149 : i32 to index
        %parallel_loop3A_335 = arith.constant 272 : index
        %parallel_loop3A_336 = tpu.vector_load %arg9[%parallel_loop3A_334, %parallel_loop3A_335] {strides = array<i32>} : memref<40x512xf32, #tpu.memory_space<vmem>>, vector<1x16xf32>,
        %parallel_loop3A_337 = vector.shape_cast %parallel_loop3A_336 : vector<1x16xf32> to vector<16xf32>
        %parallel_loop3A_338 = vector.shape_cast %parallel_loop3A_333 : vector<16xf32> to vector<1x16xf32>
        tpu.vector_store %arg9[%parallel_loop3A_334, %parallel_loop3A_335], %parallel_loop3A_338 {add = true, strides = array<i32>} : memref<40x512xf32, #tpu.memory_space<vmem>>, vector<1x16xf32>,
        %parallel_loop3A_339 = arith.constant 288 : i32
        %parallel_loop3A_340 = arith.addi %parallel_loop3A_158, %parallel_loop3A_339 : i32
        %parallel_loop3A_341 = arith.index_cast %parallel_loop3A_340 : i32 to index
        %parallel_loop3A_342 = tpu.vector_load %arg7[%parallel_loop3A_341] {strides = array<i32>} : memref<51200xf32, #tpu.memory_space<vmem>>, vector<16xf32>,
        %parallel_loop3A_343 = vector.shape_cast %parallel_loop3A_342 : vector<16xf32> to vector<16xf32>
        %parallel_loop3A_344 = arith.index_cast %parallel_loop3A_149 : i32 to index
        %parallel_loop3A_345 = arith.constant 288 : index
        %parallel_loop3A_346 = tpu.vector_load %arg9[%parallel_loop3A_344, %parallel_loop3A_345] {strides = array<i32>} : memref<40x512xf32, #tpu.memory_space<vmem>>, vector<1x16xf32>,
        %parallel_loop3A_347 = vector.shape_cast %parallel_loop3A_346 : vector<1x16xf32> to vector<16xf32>
        %parallel_loop3A_348 = vector.shape_cast %parallel_loop3A_343 : vector<16xf32> to vector<1x16xf32>
        tpu.vector_store %arg9[%parallel_loop3A_344, %parallel_loop3A_345], %parallel_loop3A_348 {add = true, strides = array<i32>} : memref<40x512xf32, #tpu.memory_space<vmem>>, vector<1x16xf32>,
        %parallel_loop3A_349 = arith.constant 304 : i32
        %parallel_loop3A_350 = arith.addi %parallel_loop3A_158, %parallel_loop3A_349 : i32
        %parallel_loop3A_351 = arith.index_cast %parallel_loop3A_350 : i32 to index
        %parallel_loop3A_352 = tpu.vector_load %arg7[%parallel_loop3A_351] {strides = array<i32>} : memref<51200xf32, #tpu.memory_space<vmem>>, vector<16xf32>,
        %parallel_loop3A_353 = vector.shape_cast %parallel_loop3A_352 : vector<16xf32> to vector<16xf32>
        %parallel_loop3A_354 = arith.index_cast %parallel_loop3A_149 : i32 to index
        %parallel_loop3A_355 = arith.constant 304 : index
        %parallel_loop3A_356 = tpu.vector_load %arg9[%parallel_loop3A_354, %parallel_loop3A_355] {strides = array<i32>} : memref<40x512xf32, #tpu.memory_space<vmem>>, vector<1x16xf32>,
        %parallel_loop3A_357 = vector.shape_cast %parallel_loop3A_356 : vector<1x16xf32> to vector<16xf32>
        %parallel_loop3A_358 = vector.shape_cast %parallel_loop3A_353 : vector<16xf32> to vector<1x16xf32>
        tpu.vector_store %arg9[%parallel_loop3A_354, %parallel_loop3A_355], %parallel_loop3A_358 {add = true, strides = array<i32>} : memref<40x512xf32, #tpu.memory_space<vmem>>, vector<1x16xf32>,
        %parallel_loop3A_359 = arith.constant 320 : i32
        %parallel_loop3A_360 = arith.addi %parallel_loop3A_158, %parallel_loop3A_359 : i32
        %parallel_loop3A_361 = arith.index_cast %parallel_loop3A_360 : i32 to index
        %parallel_loop3A_362 = tpu.vector_load %arg7[%parallel_loop3A_361] {strides = array<i32>} : memref<51200xf32, #tpu.memory_space<vmem>>, vector<16xf32>,
        %parallel_loop3A_363 = vector.shape_cast %parallel_loop3A_362 : vector<16xf32> to vector<16xf32>
        %parallel_loop3A_364 = arith.index_cast %parallel_loop3A_149 : i32 to index
        %parallel_loop3A_365 = arith.constant 320 : index
        %parallel_loop3A_366 = tpu.vector_load %arg9[%parallel_loop3A_364, %parallel_loop3A_365] {strides = array<i32>} : memref<40x512xf32, #tpu.memory_space<vmem>>, vector<1x16xf32>,
        %parallel_loop3A_367 = vector.shape_cast %parallel_loop3A_366 : vector<1x16xf32> to vector<16xf32>
        %parallel_loop3A_368 = vector.shape_cast %parallel_loop3A_363 : vector<16xf32> to vector<1x16xf32>
        tpu.vector_store %arg9[%parallel_loop3A_364, %parallel_loop3A_365], %parallel_loop3A_368 {add = true, strides = array<i32>} : memref<40x512xf32, #tpu.memory_space<vmem>>, vector<1x16xf32>,
        %parallel_loop3A_369 = arith.constant 336 : i32
        %parallel_loop3A_370 = arith.addi %parallel_loop3A_158, %parallel_loop3A_369 : i32
        %parallel_loop3A_371 = arith.index_cast %parallel_loop3A_370 : i32 to index
        %parallel_loop3A_372 = tpu.vector_load %arg7[%parallel_loop3A_371] {strides = array<i32>} : memref<51200xf32, #tpu.memory_space<vmem>>, vector<16xf32>,
        %parallel_loop3A_373 = vector.shape_cast %parallel_loop3A_372 : vector<16xf32> to vector<16xf32>
        %parallel_loop3A_374 = arith.index_cast %parallel_loop3A_149 : i32 to index
        %parallel_loop3A_375 = arith.constant 336 : index
        %parallel_loop3A_376 = tpu.vector_load %arg9[%parallel_loop3A_374, %parallel_loop3A_375] {strides = array<i32>} : memref<40x512xf32, #tpu.memory_space<vmem>>, vector<1x16xf32>,
        %parallel_loop3A_377 = vector.shape_cast %parallel_loop3A_376 : vector<1x16xf32> to vector<16xf32>
        %parallel_loop3A_378 = vector.shape_cast %parallel_loop3A_373 : vector<16xf32> to vector<1x16xf32>
        tpu.vector_store %arg9[%parallel_loop3A_374, %parallel_loop3A_375], %parallel_loop3A_378 {add = true, strides = array<i32>} : memref<40x512xf32, #tpu.memory_space<vmem>>, vector<1x16xf32>,
        %parallel_loop3A_379 = arith.constant 352 : i32
        %parallel_loop3A_380 = arith.addi %parallel_loop3A_158, %parallel_loop3A_379 : i32
        %parallel_loop3A_381 = arith.index_cast %parallel_loop3A_380 : i32 to index
        %parallel_loop3A_382 = tpu.vector_load %arg7[%parallel_loop3A_381] {strides = array<i32>} : memref<51200xf32, #tpu.memory_space<vmem>>, vector<16xf32>,
        %parallel_loop3A_383 = vector.shape_cast %parallel_loop3A_382 : vector<16xf32> to vector<16xf32>
        %parallel_loop3A_384 = arith.index_cast %parallel_loop3A_149 : i32 to index
        %parallel_loop3A_385 = arith.constant 352 : index
        %parallel_loop3A_386 = tpu.vector_load %arg9[%parallel_loop3A_384, %parallel_loop3A_385] {strides = array<i32>} : memref<40x512xf32, #tpu.memory_space<vmem>>, vector<1x16xf32>,
        %parallel_loop3A_387 = vector.shape_cast %parallel_loop3A_386 : vector<1x16xf32> to vector<16xf32>
        %parallel_loop3A_388 = vector.shape_cast %parallel_loop3A_383 : vector<16xf32> to vector<1x16xf32>
        tpu.vector_store %arg9[%parallel_loop3A_384, %parallel_loop3A_385], %parallel_loop3A_388 {add = true, strides = array<i32>} : memref<40x512xf32, #tpu.memory_space<vmem>>, vector<1x16xf32>,
        %parallel_loop3A_389 = arith.constant 368 : i32
        %parallel_loop3A_390 = arith.addi %parallel_loop3A_158, %parallel_loop3A_389 : i32
        %parallel_loop3A_391 = arith.index_cast %parallel_loop3A_390 : i32 to index
        %parallel_loop3A_392 = tpu.vector_load %arg7[%parallel_loop3A_391] {strides = array<i32>} : memref<51200xf32, #tpu.memory_space<vmem>>, vector<16xf32>,
        %parallel_loop3A_393 = vector.shape_cast %parallel_loop3A_392 : vector<16xf32> to vector<16xf32>
        %parallel_loop3A_394 = arith.index_cast %parallel_loop3A_149 : i32 to index
        %parallel_loop3A_395 = arith.constant 368 : index
        %parallel_loop3A_396 = tpu.vector_load %arg9[%parallel_loop3A_394, %parallel_loop3A_395] {strides = array<i32>} : memref<40x512xf32, #tpu.memory_space<vmem>>, vector<1x16xf32>,
        %parallel_loop3A_397 = vector.shape_cast %parallel_loop3A_396 : vector<1x16xf32> to vector<16xf32>
        %parallel_loop3A_398 = vector.shape_cast %parallel_loop3A_393 : vector<16xf32> to vector<1x16xf32>
        tpu.vector_store %arg9[%parallel_loop3A_394, %parallel_loop3A_395], %parallel_loop3A_398 {add = true, strides = array<i32>} : memref<40x512xf32, #tpu.memory_space<vmem>>, vector<1x16xf32>,
        %parallel_loop3A_399 = arith.constant 384 : i32
        %parallel_loop3A_400 = arith.addi %parallel_loop3A_158, %parallel_loop3A_399 : i32
        %parallel_loop3A_401 = arith.index_cast %parallel_loop3A_400 : i32 to index
        %parallel_loop3A_402 = tpu.vector_load %arg7[%parallel_loop3A_401] {strides = array<i32>} : memref<51200xf32, #tpu.memory_space<vmem>>, vector<16xf32>,
        %parallel_loop3A_403 = vector.shape_cast %parallel_loop3A_402 : vector<16xf32> to vector<16xf32>
        %parallel_loop3A_404 = arith.index_cast %parallel_loop3A_149 : i32 to index
        %parallel_loop3A_405 = arith.constant 384 : index
        %parallel_loop3A_406 = tpu.vector_load %arg9[%parallel_loop3A_404, %parallel_loop3A_405] {strides = array<i32>} : memref<40x512xf32, #tpu.memory_space<vmem>>, vector<1x16xf32>,
        %parallel_loop3A_407 = vector.shape_cast %parallel_loop3A_406 : vector<1x16xf32> to vector<16xf32>
        %parallel_loop3A_408 = vector.shape_cast %parallel_loop3A_403 : vector<16xf32> to vector<1x16xf32>
        tpu.vector_store %arg9[%parallel_loop3A_404, %parallel_loop3A_405], %parallel_loop3A_408 {add = true, strides = array<i32>} : memref<40x512xf32, #tpu.memory_space<vmem>>, vector<1x16xf32>,
        %parallel_loop3A_409 = arith.constant 400 : i32
        %parallel_loop3A_410 = arith.addi %parallel_loop3A_158, %parallel_loop3A_409 : i32
        %parallel_loop3A_411 = arith.index_cast %parallel_loop3A_410 : i32 to index
        %parallel_loop3A_412 = tpu.vector_load %arg7[%parallel_loop3A_411] {strides = array<i32>} : memref<51200xf32, #tpu.memory_space<vmem>>, vector<16xf32>,
        %parallel_loop3A_413 = vector.shape_cast %parallel_loop3A_412 : vector<16xf32> to vector<16xf32>
        %parallel_loop3A_414 = arith.index_cast %parallel_loop3A_149 : i32 to index
        %parallel_loop3A_415 = arith.constant 400 : index
        %parallel_loop3A_416 = tpu.vector_load %arg9[%parallel_loop3A_414, %parallel_loop3A_415] {strides = array<i32>} : memref<40x512xf32, #tpu.memory_space<vmem>>, vector<1x16xf32>,
        %parallel_loop3A_417 = vector.shape_cast %parallel_loop3A_416 : vector<1x16xf32> to vector<16xf32>
        %parallel_loop3A_418 = vector.shape_cast %parallel_loop3A_413 : vector<16xf32> to vector<1x16xf32>
        tpu.vector_store %arg9[%parallel_loop3A_414, %parallel_loop3A_415], %parallel_loop3A_418 {add = true, strides = array<i32>} : memref<40x512xf32, #tpu.memory_space<vmem>>, vector<1x16xf32>,
        %parallel_loop3A_419 = arith.constant 416 : i32
        %parallel_loop3A_420 = arith.addi %parallel_loop3A_158, %parallel_loop3A_419 : i32
        %parallel_loop3A_421 = arith.index_cast %parallel_loop3A_420 : i32 to index
        %parallel_loop3A_422 = tpu.vector_load %arg7[%parallel_loop3A_421] {strides = array<i32>} : memref<51200xf32, #tpu.memory_space<vmem>>, vector<16xf32>,
        %parallel_loop3A_423 = vector.shape_cast %parallel_loop3A_422 : vector<16xf32> to vector<16xf32>
        %parallel_loop3A_424 = arith.index_cast %parallel_loop3A_149 : i32 to index
        %parallel_loop3A_425 = arith.constant 416 : index
        %parallel_loop3A_426 = tpu.vector_load %arg9[%parallel_loop3A_424, %parallel_loop3A_425] {strides = array<i32>} : memref<40x512xf32, #tpu.memory_space<vmem>>, vector<1x16xf32>,
        %parallel_loop3A_427 = vector.shape_cast %parallel_loop3A_426 : vector<1x16xf32> to vector<16xf32>
        %parallel_loop3A_428 = vector.shape_cast %parallel_loop3A_423 : vector<16xf32> to vector<1x16xf32>
        tpu.vector_store %arg9[%parallel_loop3A_424, %parallel_loop3A_425], %parallel_loop3A_428 {add = true, strides = array<i32>} : memref<40x512xf32, #tpu.memory_space<vmem>>, vector<1x16xf32>,
        %parallel_loop3A_429 = arith.constant 432 : i32
        %parallel_loop3A_430 = arith.addi %parallel_loop3A_158, %parallel_loop3A_429 : i32
        %parallel_loop3A_431 = arith.index_cast %parallel_loop3A_430 : i32 to index
        %parallel_loop3A_432 = tpu.vector_load %arg7[%parallel_loop3A_431] {strides = array<i32>} : memref<51200xf32, #tpu.memory_space<vmem>>, vector<16xf32>,
        %parallel_loop3A_433 = vector.shape_cast %parallel_loop3A_432 : vector<16xf32> to vector<16xf32>
        %parallel_loop3A_434 = arith.index_cast %parallel_loop3A_149 : i32 to index
        %parallel_loop3A_435 = arith.constant 432 : index
        %parallel_loop3A_436 = tpu.vector_load %arg9[%parallel_loop3A_434, %parallel_loop3A_435] {strides = array<i32>} : memref<40x512xf32, #tpu.memory_space<vmem>>, vector<1x16xf32>,
        %parallel_loop3A_437 = vector.shape_cast %parallel_loop3A_436 : vector<1x16xf32> to vector<16xf32>
        %parallel_loop3A_438 = vector.shape_cast %parallel_loop3A_433 : vector<16xf32> to vector<1x16xf32>
        tpu.vector_store %arg9[%parallel_loop3A_434, %parallel_loop3A_435], %parallel_loop3A_438 {add = true, strides = array<i32>} : memref<40x512xf32, #tpu.memory_space<vmem>>, vector<1x16xf32>,
        %parallel_loop3A_439 = arith.constant 448 : i32
        %parallel_loop3A_440 = arith.addi %parallel_loop3A_158, %parallel_loop3A_439 : i32
        %parallel_loop3A_441 = arith.index_cast %parallel_loop3A_440 : i32 to index
        %parallel_loop3A_442 = tpu.vector_load %arg7[%parallel_loop3A_441] {strides = array<i32>} : memref<51200xf32, #tpu.memory_space<vmem>>, vector<16xf32>,
        %parallel_loop3A_443 = vector.shape_cast %parallel_loop3A_442 : vector<16xf32> to vector<16xf32>
        %parallel_loop3A_444 = arith.index_cast %parallel_loop3A_149 : i32 to index
        %parallel_loop3A_445 = arith.constant 448 : index
        %parallel_loop3A_446 = tpu.vector_load %arg9[%parallel_loop3A_444, %parallel_loop3A_445] {strides = array<i32>} : memref<40x512xf32, #tpu.memory_space<vmem>>, vector<1x16xf32>,
        %parallel_loop3A_447 = vector.shape_cast %parallel_loop3A_446 : vector<1x16xf32> to vector<16xf32>
        %parallel_loop3A_448 = vector.shape_cast %parallel_loop3A_443 : vector<16xf32> to vector<1x16xf32>
        tpu.vector_store %arg9[%parallel_loop3A_444, %parallel_loop3A_445], %parallel_loop3A_448 {add = true, strides = array<i32>} : memref<40x512xf32, #tpu.memory_space<vmem>>, vector<1x16xf32>,
        %parallel_loop3A_449 = arith.constant 464 : i32
        %parallel_loop3A_450 = arith.addi %parallel_loop3A_158, %parallel_loop3A_449 : i32
        %parallel_loop3A_451 = arith.index_cast %parallel_loop3A_450 : i32 to index
        %parallel_loop3A_452 = tpu.vector_load %arg7[%parallel_loop3A_451] {strides = array<i32>} : memref<51200xf32, #tpu.memory_space<vmem>>, vector<16xf32>,
        %parallel_loop3A_453 = vector.shape_cast %parallel_loop3A_452 : vector<16xf32> to vector<16xf32>
        %parallel_loop3A_454 = arith.index_cast %parallel_loop3A_149 : i32 to index
        %parallel_loop3A_455 = arith.constant 464 : index
        %parallel_loop3A_456 = tpu.vector_load %arg9[%parallel_loop3A_454, %parallel_loop3A_455] {strides = array<i32>} : memref<40x512xf32, #tpu.memory_space<vmem>>, vector<1x16xf32>,
        %parallel_loop3A_457 = vector.shape_cast %parallel_loop3A_456 : vector<1x16xf32> to vector<16xf32>
        %parallel_loop3A_458 = vector.shape_cast %parallel_loop3A_453 : vector<16xf32> to vector<1x16xf32>
        tpu.vector_store %arg9[%parallel_loop3A_454, %parallel_loop3A_455], %parallel_loop3A_458 {add = true, strides = array<i32>} : memref<40x512xf32, #tpu.memory_space<vmem>>, vector<1x16xf32>,
        %parallel_loop3A_459 = arith.constant 480 : i32
        %parallel_loop3A_460 = arith.addi %parallel_loop3A_158, %parallel_loop3A_459 : i32
        %parallel_loop3A_461 = arith.index_cast %parallel_loop3A_460 : i32 to index
        %parallel_loop3A_462 = tpu.vector_load %arg7[%parallel_loop3A_461] {strides = array<i32>} : memref<51200xf32, #tpu.memory_space<vmem>>, vector<16xf32>,
        %parallel_loop3A_463 = vector.shape_cast %parallel_loop3A_462 : vector<16xf32> to vector<16xf32>
        %parallel_loop3A_464 = arith.index_cast %parallel_loop3A_149 : i32 to index
        %parallel_loop3A_465 = arith.constant 480 : index
        %parallel_loop3A_466 = tpu.vector_load %arg9[%parallel_loop3A_464, %parallel_loop3A_465] {strides = array<i32>} : memref<40x512xf32, #tpu.memory_space<vmem>>, vector<1x16xf32>,
        %parallel_loop3A_467 = vector.shape_cast %parallel_loop3A_466 : vector<1x16xf32> to vector<16xf32>
        %parallel_loop3A_468 = vector.shape_cast %parallel_loop3A_463 : vector<16xf32> to vector<1x16xf32>
        tpu.vector_store %arg9[%parallel_loop3A_464, %parallel_loop3A_465], %parallel_loop3A_468 {add = true, strides = array<i32>} : memref<40x512xf32, #tpu.memory_space<vmem>>, vector<1x16xf32>,
        %parallel_loop3A_469 = arith.constant 496 : i32
        %parallel_loop3A_470 = arith.addi %parallel_loop3A_158, %parallel_loop3A_469 : i32
        %parallel_loop3A_471 = arith.index_cast %parallel_loop3A_470 : i32 to index
        %parallel_loop3A_472 = tpu.vector_load %arg7[%parallel_loop3A_471] {strides = array<i32>} : memref<51200xf32, #tpu.memory_space<vmem>>, vector<16xf32>,
        %parallel_loop3A_473 = vector.shape_cast %parallel_loop3A_472 : vector<16xf32> to vector<16xf32>
        %parallel_loop3A_474 = arith.index_cast %parallel_loop3A_149 : i32 to index
        %parallel_loop3A_475 = arith.constant 496 : index
        %parallel_loop3A_476 = tpu.vector_load %arg9[%parallel_loop3A_474, %parallel_loop3A_475] {strides = array<i32>} : memref<40x512xf32, #tpu.memory_space<vmem>>, vector<1x16xf32>,
        %parallel_loop3A_477 = vector.shape_cast %parallel_loop3A_476 : vector<1x16xf32> to vector<16xf32>
        %parallel_loop3A_478 = vector.shape_cast %parallel_loop3A_473 : vector<16xf32> to vector<1x16xf32>
        tpu.vector_store %arg9[%parallel_loop3A_474, %parallel_loop3A_475], %parallel_loop3A_478 {add = true, strides = array<i32>} : memref<40x512xf32, #tpu.memory_space<vmem>>, vector<1x16xf32>,
      } {sc.loop_unroll_factor = 1 : i64, sc.parallel_access}
      %dma_start3A_68 = arith.constant 0 : i32
      %dma_start3A_69 = tpu.memref_slice %arg5[%add3A_55, %multiple_of3A_52, %dma_start3A_68] : memref<1024x200x512xf32, #tpu.memory_space<hbm>> -> memref<1x40x512xf32, #tpu.memory_space<hbm>>
      %dma_start3A_70 = tpu.memref_squeeze %dma_start3A_69 : memref<1x40x512xf32, #tpu.memory_space<hbm>> -> memref<40x512xf32, #tpu.memory_space<hbm>>
      %dma_start3A_71 = arith.constant 0 : i32
      %dma_start3A_72 = tpu.memref_slice %arg5[%add3A_55, %multiple_of3A_52, %dma_start3A_71] : memref<1024x200x512xf32, #tpu.memory_space<hbm>> -> memref<1x40x512xf32, #tpu.memory_space<hbm>>
      %dma_start3A_73 = tpu.memref_squeeze %dma_start3A_72 : memref<1x40x512xf32, #tpu.memory_space<hbm>> -> memref<40x512xf32, #tpu.memory_space<hbm>>
      tpu.enqueue_dma source(%arg9 : memref<40x512xf32, #tpu.memory_space<vmem>>) target(%dma_start3A_73 : memref<40x512xf32, #tpu.memory_space<hbm>>) target_semaphore(%arg11 : memref<!tpu.dma_semaphore, #tpu.memory_space<semaphore_mem>>)
      %ge3A = arith.constant 1 : i32
      %ge3A_74 = arith.cmpi sge, %add3A_33, %ge3A : i32
      %convert_element_type3A_75 = arith.extui %ge3A_74 : i1 to i32
      %cond3A_76 = arith.constant 0 : i32
      %cond3A_77 = arith.cmpi ne, %convert_element_type3A_75, %cond3A_76 : i32
      scf.if %cond3A_77 {
        %dma_wait3A_149 = arith.constant 0 : i32
        %dma_wait3A_150 = arith.constant 0 : i32
        %dma_wait3A_151 = arith.constant 0 : i32
        %dma_wait3A_152 = tpu.memref_slice %arg5[%dma_wait3A_149, %dma_wait3A_150, %dma_wait3A_151] : memref<1024x200x512xf32, #tpu.memory_space<hbm>> -> memref<1x40x512xf32, #tpu.memory_space<hbm>>
        %dma_wait3A_153 = tpu.memref_squeeze %dma_wait3A_152 : memref<1x40x512xf32, #tpu.memory_space<hbm>> -> memref<40x512xf32, #tpu.memory_space<hbm>>
        %dma_wait3A_154 = arith.constant 0 : i32
        %dma_wait3A_155 = arith.constant 0 : i32
        %dma_wait3A_156 = tpu.memref_slice %arg5[%dma_wait3A_149, %dma_wait3A_154, %dma_wait3A_155] : memref<1024x200x512xf32, #tpu.memory_space<hbm>> -> memref<1x40x512xf32, #tpu.memory_space<hbm>>
        %dma_wait3A_157 = tpu.memref_squeeze %dma_wait3A_156 : memref<1x40x512xf32, #tpu.memory_space<hbm>> -> memref<40x512xf32, #tpu.memory_space<hbm>>
        tpu.wait_dma2 semaphore(%arg12 : memref<!tpu.dma_semaphore, #tpu.memory_space<semaphore_mem>>) src(%arg10 : memref<40x512xf32, #tpu.memory_space<vmem>>) dst(%dma_wait3A_157 : memref<40x512xf32, #tpu.memory_space<hbm>>)
      } else {
      }
      %add3A_78 = arith.constant 1 : i32
      %add3A_79 = arith.addi %add3A_33, %add3A_78 : i32
      %lt3A = arith.constant 160 : i32
      %lt3A_80 = arith.cmpi slt, %add3A_79, %lt3A : i32
      %convert_element_type3A_81 = arith.extui %lt3A_80 : i1 to i32
      %cond3A_82 = arith.constant 0 : i32
      %cond3A_83 = arith.cmpi ne, %convert_element_type3A_81, %cond3A_82 : i32
      scf.if %cond3A_83 {
        %add3A_149 = arith.constant 1 : i32
        %add3A_150 = arith.addi %add3A_33, %add3A_149 : i32
        %jit3A_151 = arith.constant 32 : i32
        %div3A_152 = arith.divsi %add3A_150, %jit3A_151 : i32
        %sign3A_153 = arith.constant 0 : i32
        %sign3A_154 = arith.cmpi sgt, %add3A_150, %sign3A_153 : i32
        %sign3A_155 = arith.extui %sign3A_154 : i1 to i32
        %sign3A_156 = arith.constant 0 : i32
        %sign3A_157 = arith.cmpi slt, %add3A_150, %sign3A_156 : i32
        %sign3A_158 = arith.extui %sign3A_157 : i1 to i32
        %sign3A_159 = arith.subi %sign3A_155, %sign3A_158 : i32
        %sign3A_160 = arith.constant 0 : i32
        %sign3A_161 = arith.cmpi sgt, %jit3A_151, %sign3A_160 : i32
        %sign3A_162 = arith.extui %sign3A_161 : i1 to i32
        %sign3A_163 = arith.constant 0 : i32
        %sign3A_164 = arith.cmpi slt, %jit3A_151, %sign3A_163 : i32
        %sign3A_165 = arith.extui %sign3A_164 : i1 to i32
        %sign3A_166 = arith.subi %sign3A_162, %sign3A_165 : i32
        %ne3A_167 = arith.cmpi ne, %sign3A_159, %sign3A_166 : i32
        %rem3A_168 = arith.remsi %add3A_150, %jit3A_151 : i32
        %ne3A_169 = arith.constant 0 : i32
        %ne3A_170 = arith.cmpi ne, %rem3A_168, %ne3A_169 : i32
        %and3A_171 = arith.andi %ne3A_167, %ne3A_170 : i1
        %sub3A_172 = arith.constant 1 : i32
        %sub3A_173 = arith.subi %div3A_152, %sub3A_172 : i32
        %select_n3A_174 = arith.select %and3A_171, %sub3A_173, %div3A_152 : i32
        %mul3A_175 = arith.constant 40 : i32
        %mul3A_176 = arith.muli %select_n3A_174, %mul3A_175 : i32
        %multiple_of3A_177 = tpu.assume_multiple %mul3A_176, 8 : i32
        %dma_start3A_178 = arith.constant 0 : i32
        %dma_start3A_179 = tpu.memref_slice %arg8[%multiple_of3A_177, %dma_start3A_178] : memref<200x512xf32, #tpu.memory_space<vmem_shared>> -> memref<40x512xf32, #tpu.memory_space<vmem_shared>>
        %dma_start3A_180 = arith.constant 0 : i32
        %dma_start3A_181 = tpu.memref_slice %arg8[%multiple_of3A_177, %dma_start3A_180] : memref<200x512xf32, #tpu.memory_space<vmem_shared>> -> memref<40x512xf32, #tpu.memory_space<vmem_shared>>
        tpu.enqueue_dma source(%dma_start3A_181 : memref<40x512xf32, #tpu.memory_space<vmem_shared>>) target(%arg10 : memref<40x512xf32, #tpu.memory_space<vmem>>) target_semaphore(%arg14 : memref<!tpu.dma_semaphore, #tpu.memory_space<semaphore_mem>>)
      } else {
      }
      %mul3A_84 = arith.constant 2 : i32
      %mul3A_85 = arith.muli %mul3A_84, %scan3A_28 : i32
      %add3A_86 = arith.constant 1 : i32
      %add3A_87 = arith.addi %mul3A_85, %add3A_86 : i32
      %jit3A_88 = arith.constant 32 : i32
      %div3A_89 = arith.divsi %add3A_87, %jit3A_88 : i32
      %sign3A_90 = arith.constant 0 : i32
      %sign3A_91 = arith.cmpi sgt, %add3A_87, %sign3A_90 : i32
      %sign3A_92 = arith.extui %sign3A_91 : i1 to i32
      %sign3A_93 = arith.constant 0 : i32
      %sign3A_94 = arith.cmpi slt, %add3A_87, %sign3A_93 : i32
      %sign3A_95 = arith.extui %sign3A_94 : i1 to i32
      %sign3A_96 = arith.subi %sign3A_92, %sign3A_95 : i32
      %sign3A_97 = arith.constant 0 : i32
      %sign3A_98 = arith.cmpi sgt, %jit3A_88, %sign3A_97 : i32
      %sign3A_99 = arith.extui %sign3A_98 : i1 to i32
      %sign3A_100 = arith.constant 0 : i32
      %sign3A_101 = arith.cmpi slt, %jit3A_88, %sign3A_100 : i32
      %sign3A_102 = arith.extui %sign3A_101 : i1 to i32
      %sign3A_103 = arith.subi %sign3A_99, %sign3A_102 : i32
      %ne3A_104 = arith.cmpi ne, %sign3A_96, %sign3A_103 : i32
      %rem3A_105 = arith.remsi %add3A_87, %jit3A_88 : i32
      %ne3A_106 = arith.constant 0 : i32
      %ne3A_107 = arith.cmpi ne, %rem3A_105, %ne3A_106 : i32
      %and3A_108 = arith.andi %ne3A_104, %ne3A_107 : i1
      %sub3A_109 = arith.constant 1 : i32
      %sub3A_110 = arith.subi %div3A_89, %sub3A_109 : i32
      %select_n3A_111 = arith.select %and3A_108, %sub3A_110, %div3A_89 : i32
      %mul3A_112 = arith.constant 40 : i32
      %mul3A_113 = arith.muli %select_n3A_111, %mul3A_112 : i32
      %multiple_of3A_114 = tpu.assume_multiple %mul3A_113, 8 : i32
      %rem3A_115 = arith.constant 32 : i32
      %rem3A_116 = arith.remsi %add3A_87, %rem3A_115 : i32
      %add3A_117 = arith.addi %mul3A_2, %rem3A_116 : i32
      %dma_wait3A_118 = arith.constant 0 : i32
      %dma_wait3A_119 = arith.constant 0 : i32
      %dma_wait3A_120 = tpu.memref_slice %arg8[%dma_wait3A_118, %dma_wait3A_119] : memref<200x512xf32, #tpu.memory_space<vmem_shared>> -> memref<40x512xf32, #tpu.memory_space<vmem_shared>>
      %dma_wait3A_121 = arith.constant 0 : i32
      %dma_wait3A_122 = arith.constant 0 : i32
      %dma_wait3A_123 = tpu.memref_slice %arg8[%dma_wait3A_121, %dma_wait3A_122] : memref<200x512xf32, #tpu.memory_space<vmem_shared>> -> memref<40x512xf32, #tpu.memory_space<vmem_shared>>
      tpu.wait_dma2 semaphore(%arg14 : memref<!tpu.dma_semaphore, #tpu.memory_space<semaphore_mem>>) src(%dma_wait3A_123 : memref<40x512xf32, #tpu.memory_space<vmem_shared>>) dst(%arg10 : memref<40x512xf32, #tpu.memory_space<vmem>>)
      %mul3A_124 = arith.constant 200 : i32
      %mul3A_125 = arith.muli %rem3A_116, %mul3A_124 : i32
      %add3A_126 = arith.addi %mul3A_125, %multiple_of3A_114 : i32
      %parallel_loop3A_127 = arith.constant 0 : i32
      %parallel_loop3A_128 = arith.constant 40 : i32
      %parallel_loop3A_129 = arith.constant 1 : i32
      scf.for %parallel_loop3A_149 = %parallel_loop3A_127 to %parallel_loop3A_128 step %parallel_loop3A_129  : i32 {
        %parallel_loop3A_150 = arith.addi %add3A_126, %parallel_loop3A_149 : i32
        %parallel_loop3A_151 = arith.index_cast %parallel_loop3A_150 : i32 to index
        %parallel_loop3A_152 = tpu.vector_load %arg6[%parallel_loop3A_151] {strides = array<i32>} : memref<6416xi32, #tpu.memory_space<vmem>>, vector<16xi32>,
        %parallel_loop3A_153 = vector.shape_cast %parallel_loop3A_152 : vector<16xi32> to vector<16xi32>
        %parallel_loop3A_154 = vector.extract_strided_slice %parallel_loop3A_153 {offsets = [0], sizes = [1], strides = [1]} : vector<16xi32> to vector<1xi32>
        %parallel_loop3A_155 = vector.extract %parallel_loop3A_154[0] : i32 from vector<1xi32>
        %parallel_loop3A_156 = arith.constant 512 : i32
        %parallel_loop3A_157 = arith.muli %parallel_loop3A_155, %parallel_loop3A_156 : i32
        %parallel_loop3A_158 = tpu.assume_multiple %parallel_loop3A_157, 16 : i32
        %parallel_loop3A_159 = arith.constant 0 : i32
        %parallel_loop3A_160 = arith.addi %parallel_loop3A_158, %parallel_loop3A_159 : i32
        %parallel_loop3A_161 = arith.index_cast %parallel_loop3A_160 : i32 to index
        %parallel_loop3A_162 = tpu.vector_load %arg7[%parallel_loop3A_161] {strides = array<i32>} : memref<51200xf32, #tpu.memory_space<vmem>>, vector<16xf32>,
        %parallel_loop3A_163 = vector.shape_cast %parallel_loop3A_162 : vector<16xf32> to vector<16xf32>
        %parallel_loop3A_164 = arith.index_cast %parallel_loop3A_149 : i32 to index
        %parallel_loop3A_165 = arith.constant 0 : index
        %parallel_loop3A_166 = tpu.vector_load %arg10[%parallel_loop3A_164, %parallel_loop3A_165] {strides = array<i32>} : memref<40x512xf32, #tpu.memory_space<vmem>>, vector<1x16xf32>,
        %parallel_loop3A_167 = vector.shape_cast %parallel_loop3A_166 : vector<1x16xf32> to vector<16xf32>
        %parallel_loop3A_168 = vector.shape_cast %parallel_loop3A_163 : vector<16xf32> to vector<1x16xf32>
        tpu.vector_store %arg10[%parallel_loop3A_164, %parallel_loop3A_165], %parallel_loop3A_168 {add = true, strides = array<i32>} : memref<40x512xf32, #tpu.memory_space<vmem>>, vector<1x16xf32>,
        %parallel_loop3A_169 = arith.constant 16 : i32
        %parallel_loop3A_170 = arith.addi %parallel_loop3A_158, %parallel_loop3A_169 : i32
        %parallel_loop3A_171 = arith.index_cast %parallel_loop3A_170 : i32 to index
        %parallel_loop3A_172 = tpu.vector_load %arg7[%parallel_loop3A_171] {strides = array<i32>} : memref<51200xf32, #tpu.memory_space<vmem>>, vector<16xf32>,
        %parallel_loop3A_173 = vector.shape_cast %parallel_loop3A_172 : vector<16xf32> to vector<16xf32>
        %parallel_loop3A_174 = arith.index_cast %parallel_loop3A_149 : i32 to index
        %parallel_loop3A_175 = arith.constant 16 : index
        %parallel_loop3A_176 = tpu.vector_load %arg10[%parallel_loop3A_174, %parallel_loop3A_175] {strides = array<i32>} : memref<40x512xf32, #tpu.memory_space<vmem>>, vector<1x16xf32>,
        %parallel_loop3A_177 = vector.shape_cast %parallel_loop3A_176 : vector<1x16xf32> to vector<16xf32>
        %parallel_loop3A_178 = vector.shape_cast %parallel_loop3A_173 : vector<16xf32> to vector<1x16xf32>
        tpu.vector_store %arg10[%parallel_loop3A_174, %parallel_loop3A_175], %parallel_loop3A_178 {add = true, strides = array<i32>} : memref<40x512xf32, #tpu.memory_space<vmem>>, vector<1x16xf32>,
        %parallel_loop3A_179 = arith.constant 32 : i32
        %parallel_loop3A_180 = arith.addi %parallel_loop3A_158, %parallel_loop3A_179 : i32
        %parallel_loop3A_181 = arith.index_cast %parallel_loop3A_180 : i32 to index
        %parallel_loop3A_182 = tpu.vector_load %arg7[%parallel_loop3A_181] {strides = array<i32>} : memref<51200xf32, #tpu.memory_space<vmem>>, vector<16xf32>,
        %parallel_loop3A_183 = vector.shape_cast %parallel_loop3A_182 : vector<16xf32> to vector<16xf32>
        %parallel_loop3A_184 = arith.index_cast %parallel_loop3A_149 : i32 to index
        %parallel_loop3A_185 = arith.constant 32 : index
        %parallel_loop3A_186 = tpu.vector_load %arg10[%parallel_loop3A_184, %parallel_loop3A_185] {strides = array<i32>} : memref<40x512xf32, #tpu.memory_space<vmem>>, vector<1x16xf32>,
        %parallel_loop3A_187 = vector.shape_cast %parallel_loop3A_186 : vector<1x16xf32> to vector<16xf32>
        %parallel_loop3A_188 = vector.shape_cast %parallel_loop3A_183 : vector<16xf32> to vector<1x16xf32>
        tpu.vector_store %arg10[%parallel_loop3A_184, %parallel_loop3A_185], %parallel_loop3A_188 {add = true, strides = array<i32>} : memref<40x512xf32, #tpu.memory_space<vmem>>, vector<1x16xf32>,
        %parallel_loop3A_189 = arith.constant 48 : i32
        %parallel_loop3A_190 = arith.addi %parallel_loop3A_158, %parallel_loop3A_189 : i32
        %parallel_loop3A_191 = arith.index_cast %parallel_loop3A_190 : i32 to index
        %parallel_loop3A_192 = tpu.vector_load %arg7[%parallel_loop3A_191] {strides = array<i32>} : memref<51200xf32, #tpu.memory_space<vmem>>, vector<16xf32>,
        %parallel_loop3A_193 = vector.shape_cast %parallel_loop3A_192 : vector<16xf32> to vector<16xf32>
        %parallel_loop3A_194 = arith.index_cast %parallel_loop3A_149 : i32 to index
        %parallel_loop3A_195 = arith.constant 48 : index
        %parallel_loop3A_196 = tpu.vector_load %arg10[%parallel_loop3A_194, %parallel_loop3A_195] {strides = array<i32>} : memref<40x512xf32, #tpu.memory_space<vmem>>, vector<1x16xf32>,
        %parallel_loop3A_197 = vector.shape_cast %parallel_loop3A_196 : vector<1x16xf32> to vector<16xf32>
        %parallel_loop3A_198 = vector.shape_cast %parallel_loop3A_193 : vector<16xf32> to vector<1x16xf32>
        tpu.vector_store %arg10[%parallel_loop3A_194, %parallel_loop3A_195], %parallel_loop3A_198 {add = true, strides = array<i32>} : memref<40x512xf32, #tpu.memory_space<vmem>>, vector<1x16xf32>,
        %parallel_loop3A_199 = arith.constant 64 : i32
        %parallel_loop3A_200 = arith.addi %parallel_loop3A_158, %parallel_loop3A_199 : i32
        %parallel_loop3A_201 = arith.index_cast %parallel_loop3A_200 : i32 to index
        %parallel_loop3A_202 = tpu.vector_load %arg7[%parallel_loop3A_201] {strides = array<i32>} : memref<51200xf32, #tpu.memory_space<vmem>>, vector<16xf32>,
        %parallel_loop3A_203 = vector.shape_cast %parallel_loop3A_202 : vector<16xf32> to vector<16xf32>
        %parallel_loop3A_204 = arith.index_cast %parallel_loop3A_149 : i32 to index
        %parallel_loop3A_205 = arith.constant 64 : index
        %parallel_loop3A_206 = tpu.vector_load %arg10[%parallel_loop3A_204, %parallel_loop3A_205] {strides = array<i32>} : memref<40x512xf32, #tpu.memory_space<vmem>>, vector<1x16xf32>,
        %parallel_loop3A_207 = vector.shape_cast %parallel_loop3A_206 : vector<1x16xf32> to vector<16xf32>
        %parallel_loop3A_208 = vector.shape_cast %parallel_loop3A_203 : vector<16xf32> to vector<1x16xf32>
        tpu.vector_store %arg10[%parallel_loop3A_204, %parallel_loop3A_205], %parallel_loop3A_208 {add = true, strides = array<i32>} : memref<40x512xf32, #tpu.memory_space<vmem>>, vector<1x16xf32>,
        %parallel_loop3A_209 = arith.constant 80 : i32
        %parallel_loop3A_210 = arith.addi %parallel_loop3A_158, %parallel_loop3A_209 : i32
        %parallel_loop3A_211 = arith.index_cast %parallel_loop3A_210 : i32 to index
        %parallel_loop3A_212 = tpu.vector_load %arg7[%parallel_loop3A_211] {strides = array<i32>} : memref<51200xf32, #tpu.memory_space<vmem>>, vector<16xf32>,
        %parallel_loop3A_213 = vector.shape_cast %parallel_loop3A_212 : vector<16xf32> to vector<16xf32>
        %parallel_loop3A_214 = arith.index_cast %parallel_loop3A_149 : i32 to index
        %parallel_loop3A_215 = arith.constant 80 : index
        %parallel_loop3A_216 = tpu.vector_load %arg10[%parallel_loop3A_214, %parallel_loop3A_215] {strides = array<i32>} : memref<40x512xf32, #tpu.memory_space<vmem>>, vector<1x16xf32>,
        %parallel_loop3A_217 = vector.shape_cast %parallel_loop3A_216 : vector<1x16xf32> to vector<16xf32>
        %parallel_loop3A_218 = vector.shape_cast %parallel_loop3A_213 : vector<16xf32> to vector<1x16xf32>
        tpu.vector_store %arg10[%parallel_loop3A_214, %parallel_loop3A_215], %parallel_loop3A_218 {add = true, strides = array<i32>} : memref<40x512xf32, #tpu.memory_space<vmem>>, vector<1x16xf32>,
        %parallel_loop3A_219 = arith.constant 96 : i32
        %parallel_loop3A_220 = arith.addi %parallel_loop3A_158, %parallel_loop3A_219 : i32
        %parallel_loop3A_221 = arith.index_cast %parallel_loop3A_220 : i32 to index
        %parallel_loop3A_222 = tpu.vector_load %arg7[%parallel_loop3A_221] {strides = array<i32>} : memref<51200xf32, #tpu.memory_space<vmem>>, vector<16xf32>,
        %parallel_loop3A_223 = vector.shape_cast %parallel_loop3A_222 : vector<16xf32> to vector<16xf32>
        %parallel_loop3A_224 = arith.index_cast %parallel_loop3A_149 : i32 to index
        %parallel_loop3A_225 = arith.constant 96 : index
        %parallel_loop3A_226 = tpu.vector_load %arg10[%parallel_loop3A_224, %parallel_loop3A_225] {strides = array<i32>} : memref<40x512xf32, #tpu.memory_space<vmem>>, vector<1x16xf32>,
        %parallel_loop3A_227 = vector.shape_cast %parallel_loop3A_226 : vector<1x16xf32> to vector<16xf32>
        %parallel_loop3A_228 = vector.shape_cast %parallel_loop3A_223 : vector<16xf32> to vector<1x16xf32>
        tpu.vector_store %arg10[%parallel_loop3A_224, %parallel_loop3A_225], %parallel_loop3A_228 {add = true, strides = array<i32>} : memref<40x512xf32, #tpu.memory_space<vmem>>, vector<1x16xf32>,
        %parallel_loop3A_229 = arith.constant 112 : i32
        %parallel_loop3A_230 = arith.addi %parallel_loop3A_158, %parallel_loop3A_229 : i32
        %parallel_loop3A_231 = arith.index_cast %parallel_loop3A_230 : i32 to index
        %parallel_loop3A_232 = tpu.vector_load %arg7[%parallel_loop3A_231] {strides = array<i32>} : memref<51200xf32, #tpu.memory_space<vmem>>, vector<16xf32>,
        %parallel_loop3A_233 = vector.shape_cast %parallel_loop3A_232 : vector<16xf32> to vector<16xf32>
        %parallel_loop3A_234 = arith.index_cast %parallel_loop3A_149 : i32 to index
        %parallel_loop3A_235 = arith.constant 112 : index
        %parallel_loop3A_236 = tpu.vector_load %arg10[%parallel_loop3A_234, %parallel_loop3A_235] {strides = array<i32>} : memref<40x512xf32, #tpu.memory_space<vmem>>, vector<1x16xf32>,
        %parallel_loop3A_237 = vector.shape_cast %parallel_loop3A_236 : vector<1x16xf32> to vector<16xf32>
        %parallel_loop3A_238 = vector.shape_cast %parallel_loop3A_233 : vector<16xf32> to vector<1x16xf32>
        tpu.vector_store %arg10[%parallel_loop3A_234, %parallel_loop3A_235], %parallel_loop3A_238 {add = true, strides = array<i32>} : memref<40x512xf32, #tpu.memory_space<vmem>>, vector<1x16xf32>,
        %parallel_loop3A_239 = arith.constant 128 : i32
        %parallel_loop3A_240 = arith.addi %parallel_loop3A_158, %parallel_loop3A_239 : i32
        %parallel_loop3A_241 = arith.index_cast %parallel_loop3A_240 : i32 to index
        %parallel_loop3A_242 = tpu.vector_load %arg7[%parallel_loop3A_241] {strides = array<i32>} : memref<51200xf32, #tpu.memory_space<vmem>>, vector<16xf32>,
        %parallel_loop3A_243 = vector.shape_cast %parallel_loop3A_242 : vector<16xf32> to vector<16xf32>
        %parallel_loop3A_244 = arith.index_cast %parallel_loop3A_149 : i32 to index
        %parallel_loop3A_245 = arith.constant 128 : index
        %parallel_loop3A_246 = tpu.vector_load %arg10[%parallel_loop3A_244, %parallel_loop3A_245] {strides = array<i32>} : memref<40x512xf32, #tpu.memory_space<vmem>>, vector<1x16xf32>,
        %parallel_loop3A_247 = vector.shape_cast %parallel_loop3A_246 : vector<1x16xf32> to vector<16xf32>
        %parallel_loop3A_248 = vector.shape_cast %parallel_loop3A_243 : vector<16xf32> to vector<1x16xf32>
        tpu.vector_store %arg10[%parallel_loop3A_244, %parallel_loop3A_245], %parallel_loop3A_248 {add = true, strides = array<i32>} : memref<40x512xf32, #tpu.memory_space<vmem>>, vector<1x16xf32>,
        %parallel_loop3A_249 = arith.constant 144 : i32
        %parallel_loop3A_250 = arith.addi %parallel_loop3A_158, %parallel_loop3A_249 : i32
        %parallel_loop3A_251 = arith.index_cast %parallel_loop3A_250 : i32 to index
        %parallel_loop3A_252 = tpu.vector_load %arg7[%parallel_loop3A_251] {strides = array<i32>} : memref<51200xf32, #tpu.memory_space<vmem>>, vector<16xf32>,
        %parallel_loop3A_253 = vector.shape_cast %parallel_loop3A_252 : vector<16xf32> to vector<16xf32>
        %parallel_loop3A_254 = arith.index_cast %parallel_loop3A_149 : i32 to index
        %parallel_loop3A_255 = arith.constant 144 : index
        %parallel_loop3A_256 = tpu.vector_load %arg10[%parallel_loop3A_254, %parallel_loop3A_255] {strides = array<i32>} : memref<40x512xf32, #tpu.memory_space<vmem>>, vector<1x16xf32>,
        %parallel_loop3A_257 = vector.shape_cast %parallel_loop3A_256 : vector<1x16xf32> to vector<16xf32>
        %parallel_loop3A_258 = vector.shape_cast %parallel_loop3A_253 : vector<16xf32> to vector<1x16xf32>
        tpu.vector_store %arg10[%parallel_loop3A_254, %parallel_loop3A_255], %parallel_loop3A_258 {add = true, strides = array<i32>} : memref<40x512xf32, #tpu.memory_space<vmem>>, vector<1x16xf32>,
        %parallel_loop3A_259 = arith.constant 160 : i32
        %parallel_loop3A_260 = arith.addi %parallel_loop3A_158, %parallel_loop3A_259 : i32
        %parallel_loop3A_261 = arith.index_cast %parallel_loop3A_260 : i32 to index
        %parallel_loop3A_262 = tpu.vector_load %arg7[%parallel_loop3A_261] {strides = array<i32>} : memref<51200xf32, #tpu.memory_space<vmem>>, vector<16xf32>,
        %parallel_loop3A_263 = vector.shape_cast %parallel_loop3A_262 : vector<16xf32> to vector<16xf32>
        %parallel_loop3A_264 = arith.index_cast %parallel_loop3A_149 : i32 to index
        %parallel_loop3A_265 = arith.constant 160 : index
        %parallel_loop3A_266 = tpu.vector_load %arg10[%parallel_loop3A_264, %parallel_loop3A_265] {strides = array<i32>} : memref<40x512xf32, #tpu.memory_space<vmem>>, vector<1x16xf32>,
        %parallel_loop3A_267 = vector.shape_cast %parallel_loop3A_266 : vector<1x16xf32> to vector<16xf32>
        %parallel_loop3A_268 = vector.shape_cast %parallel_loop3A_263 : vector<16xf32> to vector<1x16xf32>
        tpu.vector_store %arg10[%parallel_loop3A_264, %parallel_loop3A_265], %parallel_loop3A_268 {add = true, strides = array<i32>} : memref<40x512xf32, #tpu.memory_space<vmem>>, vector<1x16xf32>,
        %parallel_loop3A_269 = arith.constant 176 : i32
        %parallel_loop3A_270 = arith.addi %parallel_loop3A_158, %parallel_loop3A_269 : i32
        %parallel_loop3A_271 = arith.index_cast %parallel_loop3A_270 : i32 to index
        %parallel_loop3A_272 = tpu.vector_load %arg7[%parallel_loop3A_271] {strides = array<i32>} : memref<51200xf32, #tpu.memory_space<vmem>>, vector<16xf32>,
        %parallel_loop3A_273 = vector.shape_cast %parallel_loop3A_272 : vector<16xf32> to vector<16xf32>
        %parallel_loop3A_274 = arith.index_cast %parallel_loop3A_149 : i32 to index
        %parallel_loop3A_275 = arith.constant 176 : index
        %parallel_loop3A_276 = tpu.vector_load %arg10[%parallel_loop3A_274, %parallel_loop3A_275] {strides = array<i32>} : memref<40x512xf32, #tpu.memory_space<vmem>>, vector<1x16xf32>,
        %parallel_loop3A_277 = vector.shape_cast %parallel_loop3A_276 : vector<1x16xf32> to vector<16xf32>
        %parallel_loop3A_278 = vector.shape_cast %parallel_loop3A_273 : vector<16xf32> to vector<1x16xf32>
        tpu.vector_store %arg10[%parallel_loop3A_274, %parallel_loop3A_275], %parallel_loop3A_278 {add = true, strides = array<i32>} : memref<40x512xf32, #tpu.memory_space<vmem>>, vector<1x16xf32>,
        %parallel_loop3A_279 = arith.constant 192 : i32
        %parallel_loop3A_280 = arith.addi %parallel_loop3A_158, %parallel_loop3A_279 : i32
        %parallel_loop3A_281 = arith.index_cast %parallel_loop3A_280 : i32 to index
        %parallel_loop3A_282 = tpu.vector_load %arg7[%parallel_loop3A_281] {strides = array<i32>} : memref<51200xf32, #tpu.memory_space<vmem>>, vector<16xf32>,
        %parallel_loop3A_283 = vector.shape_cast %parallel_loop3A_282 : vector<16xf32> to vector<16xf32>
        %parallel_loop3A_284 = arith.index_cast %parallel_loop3A_149 : i32 to index
        %parallel_loop3A_285 = arith.constant 192 : index
        %parallel_loop3A_286 = tpu.vector_load %arg10[%parallel_loop3A_284, %parallel_loop3A_285] {strides = array<i32>} : memref<40x512xf32, #tpu.memory_space<vmem>>, vector<1x16xf32>,
        %parallel_loop3A_287 = vector.shape_cast %parallel_loop3A_286 : vector<1x16xf32> to vector<16xf32>
        %parallel_loop3A_288 = vector.shape_cast %parallel_loop3A_283 : vector<16xf32> to vector<1x16xf32>
        tpu.vector_store %arg10[%parallel_loop3A_284, %parallel_loop3A_285], %parallel_loop3A_288 {add = true, strides = array<i32>} : memref<40x512xf32, #tpu.memory_space<vmem>>, vector<1x16xf32>,
        %parallel_loop3A_289 = arith.constant 208 : i32
        %parallel_loop3A_290 = arith.addi %parallel_loop3A_158, %parallel_loop3A_289 : i32
        %parallel_loop3A_291 = arith.index_cast %parallel_loop3A_290 : i32 to index
        %parallel_loop3A_292 = tpu.vector_load %arg7[%parallel_loop3A_291] {strides = array<i32>} : memref<51200xf32, #tpu.memory_space<vmem>>, vector<16xf32>,
        %parallel_loop3A_293 = vector.shape_cast %parallel_loop3A_292 : vector<16xf32> to vector<16xf32>
        %parallel_loop3A_294 = arith.index_cast %parallel_loop3A_149 : i32 to index
        %parallel_loop3A_295 = arith.constant 208 : index
        %parallel_loop3A_296 = tpu.vector_load %arg10[%parallel_loop3A_294, %parallel_loop3A_295] {strides = array<i32>} : memref<40x512xf32, #tpu.memory_space<vmem>>, vector<1x16xf32>,
        %parallel_loop3A_297 = vector.shape_cast %parallel_loop3A_296 : vector<1x16xf32> to vector<16xf32>
        %parallel_loop3A_298 = vector.shape_cast %parallel_loop3A_293 : vector<16xf32> to vector<1x16xf32>
        tpu.vector_store %arg10[%parallel_loop3A_294, %parallel_loop3A_295], %parallel_loop3A_298 {add = true, strides = array<i32>} : memref<40x512xf32, #tpu.memory_space<vmem>>, vector<1x16xf32>,
        %parallel_loop3A_299 = arith.constant 224 : i32
        %parallel_loop3A_300 = arith.addi %parallel_loop3A_158, %parallel_loop3A_299 : i32
        %parallel_loop3A_301 = arith.index_cast %parallel_loop3A_300 : i32 to index
        %parallel_loop3A_302 = tpu.vector_load %arg7[%parallel_loop3A_301] {strides = array<i32>} : memref<51200xf32, #tpu.memory_space<vmem>>, vector<16xf32>,
        %parallel_loop3A_303 = vector.shape_cast %parallel_loop3A_302 : vector<16xf32> to vector<16xf32>
        %parallel_loop3A_304 = arith.index_cast %parallel_loop3A_149 : i32 to index
        %parallel_loop3A_305 = arith.constant 224 : index
        %parallel_loop3A_306 = tpu.vector_load %arg10[%parallel_loop3A_304, %parallel_loop3A_305] {strides = array<i32>} : memref<40x512xf32, #tpu.memory_space<vmem>>, vector<1x16xf32>,
        %parallel_loop3A_307 = vector.shape_cast %parallel_loop3A_306 : vector<1x16xf32> to vector<16xf32>
        %parallel_loop3A_308 = vector.shape_cast %parallel_loop3A_303 : vector<16xf32> to vector<1x16xf32>
        tpu.vector_store %arg10[%parallel_loop3A_304, %parallel_loop3A_305], %parallel_loop3A_308 {add = true, strides = array<i32>} : memref<40x512xf32, #tpu.memory_space<vmem>>, vector<1x16xf32>,
        %parallel_loop3A_309 = arith.constant 240 : i32
        %parallel_loop3A_310 = arith.addi %parallel_loop3A_158, %parallel_loop3A_309 : i32
        %parallel_loop3A_311 = arith.index_cast %parallel_loop3A_310 : i32 to index
        %parallel_loop3A_312 = tpu.vector_load %arg7[%parallel_loop3A_311] {strides = array<i32>} : memref<51200xf32, #tpu.memory_space<vmem>>, vector<16xf32>,
        %parallel_loop3A_313 = vector.shape_cast %parallel_loop3A_312 : vector<16xf32> to vector<16xf32>
        %parallel_loop3A_314 = arith.index_cast %parallel_loop3A_149 : i32 to index
        %parallel_loop3A_315 = arith.constant 240 : index
        %parallel_loop3A_316 = tpu.vector_load %arg10[%parallel_loop3A_314, %parallel_loop3A_315] {strides = array<i32>} : memref<40x512xf32, #tpu.memory_space<vmem>>, vector<1x16xf32>,
        %parallel_loop3A_317 = vector.shape_cast %parallel_loop3A_316 : vector<1x16xf32> to vector<16xf32>
        %parallel_loop3A_318 = vector.shape_cast %parallel_loop3A_313 : vector<16xf32> to vector<1x16xf32>
        tpu.vector_store %arg10[%parallel_loop3A_314, %parallel_loop3A_315], %parallel_loop3A_318 {add = true, strides = array<i32>} : memref<40x512xf32, #tpu.memory_space<vmem>>, vector<1x16xf32>,
        %parallel_loop3A_319 = arith.constant 256 : i32
        %parallel_loop3A_320 = arith.addi %parallel_loop3A_158, %parallel_loop3A_319 : i32
        %parallel_loop3A_321 = arith.index_cast %parallel_loop3A_320 : i32 to index
        %parallel_loop3A_322 = tpu.vector_load %arg7[%parallel_loop3A_321] {strides = array<i32>} : memref<51200xf32, #tpu.memory_space<vmem>>, vector<16xf32>,
        %parallel_loop3A_323 = vector.shape_cast %parallel_loop3A_322 : vector<16xf32> to vector<16xf32>
        %parallel_loop3A_324 = arith.index_cast %parallel_loop3A_149 : i32 to index
        %parallel_loop3A_325 = arith.constant 256 : index
        %parallel_loop3A_326 = tpu.vector_load %arg10[%parallel_loop3A_324, %parallel_loop3A_325] {strides = array<i32>} : memref<40x512xf32, #tpu.memory_space<vmem>>, vector<1x16xf32>,
        %parallel_loop3A_327 = vector.shape_cast %parallel_loop3A_326 : vector<1x16xf32> to vector<16xf32>
        %parallel_loop3A_328 = vector.shape_cast %parallel_loop3A_323 : vector<16xf32> to vector<1x16xf32>
        tpu.vector_store %arg10[%parallel_loop3A_324, %parallel_loop3A_325], %parallel_loop3A_328 {add = true, strides = array<i32>} : memref<40x512xf32, #tpu.memory_space<vmem>>, vector<1x16xf32>,
        %parallel_loop3A_329 = arith.constant 272 : i32
        %parallel_loop3A_330 = arith.addi %parallel_loop3A_158, %parallel_loop3A_329 : i32
        %parallel_loop3A_331 = arith.index_cast %parallel_loop3A_330 : i32 to index
        %parallel_loop3A_332 = tpu.vector_load %arg7[%parallel_loop3A_331] {strides = array<i32>} : memref<51200xf32, #tpu.memory_space<vmem>>, vector<16xf32>,
        %parallel_loop3A_333 = vector.shape_cast %parallel_loop3A_332 : vector<16xf32> to vector<16xf32>
        %parallel_loop3A_334 = arith.index_cast %parallel_loop3A_149 : i32 to index
        %parallel_loop3A_335 = arith.constant 272 : index
        %parallel_loop3A_336 = tpu.vector_load %arg10[%parallel_loop3A_334, %parallel_loop3A_335] {strides = array<i32>} : memref<40x512xf32, #tpu.memory_space<vmem>>, vector<1x16xf32>,
        %parallel_loop3A_337 = vector.shape_cast %parallel_loop3A_336 : vector<1x16xf32> to vector<16xf32>
        %parallel_loop3A_338 = vector.shape_cast %parallel_loop3A_333 : vector<16xf32> to vector<1x16xf32>
        tpu.vector_store %arg10[%parallel_loop3A_334, %parallel_loop3A_335], %parallel_loop3A_338 {add = true, strides = array<i32>} : memref<40x512xf32, #tpu.memory_space<vmem>>, vector<1x16xf32>,
        %parallel_loop3A_339 = arith.constant 288 : i32
        %parallel_loop3A_340 = arith.addi %parallel_loop3A_158, %parallel_loop3A_339 : i32
        %parallel_loop3A_341 = arith.index_cast %parallel_loop3A_340 : i32 to index
        %parallel_loop3A_342 = tpu.vector_load %arg7[%parallel_loop3A_341] {strides = array<i32>} : memref<51200xf32, #tpu.memory_space<vmem>>, vector<16xf32>,
        %parallel_loop3A_343 = vector.shape_cast %parallel_loop3A_342 : vector<16xf32> to vector<16xf32>
        %parallel_loop3A_344 = arith.index_cast %parallel_loop3A_149 : i32 to index
        %parallel_loop3A_345 = arith.constant 288 : index
        %parallel_loop3A_346 = tpu.vector_load %arg10[%parallel_loop3A_344, %parallel_loop3A_345] {strides = array<i32>} : memref<40x512xf32, #tpu.memory_space<vmem>>, vector<1x16xf32>,
        %parallel_loop3A_347 = vector.shape_cast %parallel_loop3A_346 : vector<1x16xf32> to vector<16xf32>
        %parallel_loop3A_348 = vector.shape_cast %parallel_loop3A_343 : vector<16xf32> to vector<1x16xf32>
        tpu.vector_store %arg10[%parallel_loop3A_344, %parallel_loop3A_345], %parallel_loop3A_348 {add = true, strides = array<i32>} : memref<40x512xf32, #tpu.memory_space<vmem>>, vector<1x16xf32>,
        %parallel_loop3A_349 = arith.constant 304 : i32
        %parallel_loop3A_350 = arith.addi %parallel_loop3A_158, %parallel_loop3A_349 : i32
        %parallel_loop3A_351 = arith.index_cast %parallel_loop3A_350 : i32 to index
        %parallel_loop3A_352 = tpu.vector_load %arg7[%parallel_loop3A_351] {strides = array<i32>} : memref<51200xf32, #tpu.memory_space<vmem>>, vector<16xf32>,
        %parallel_loop3A_353 = vector.shape_cast %parallel_loop3A_352 : vector<16xf32> to vector<16xf32>
        %parallel_loop3A_354 = arith.index_cast %parallel_loop3A_149 : i32 to index
        %parallel_loop3A_355 = arith.constant 304 : index
        %parallel_loop3A_356 = tpu.vector_load %arg10[%parallel_loop3A_354, %parallel_loop3A_355] {strides = array<i32>} : memref<40x512xf32, #tpu.memory_space<vmem>>, vector<1x16xf32>,
        %parallel_loop3A_357 = vector.shape_cast %parallel_loop3A_356 : vector<1x16xf32> to vector<16xf32>
        %parallel_loop3A_358 = vector.shape_cast %parallel_loop3A_353 : vector<16xf32> to vector<1x16xf32>
        tpu.vector_store %arg10[%parallel_loop3A_354, %parallel_loop3A_355], %parallel_loop3A_358 {add = true, strides = array<i32>} : memref<40x512xf32, #tpu.memory_space<vmem>>, vector<1x16xf32>,
        %parallel_loop3A_359 = arith.constant 320 : i32
        %parallel_loop3A_360 = arith.addi %parallel_loop3A_158, %parallel_loop3A_359 : i32
        %parallel_loop3A_361 = arith.index_cast %parallel_loop3A_360 : i32 to index
        %parallel_loop3A_362 = tpu.vector_load %arg7[%parallel_loop3A_361] {strides = array<i32>} : memref<51200xf32, #tpu.memory_space<vmem>>, vector<16xf32>,
        %parallel_loop3A_363 = vector.shape_cast %parallel_loop3A_362 : vector<16xf32> to vector<16xf32>
        %parallel_loop3A_364 = arith.index_cast %parallel_loop3A_149 : i32 to index
        %parallel_loop3A_365 = arith.constant 320 : index
        %parallel_loop3A_366 = tpu.vector_load %arg10[%parallel_loop3A_364, %parallel_loop3A_365] {strides = array<i32>} : memref<40x512xf32, #tpu.memory_space<vmem>>, vector<1x16xf32>,
        %parallel_loop3A_367 = vector.shape_cast %parallel_loop3A_366 : vector<1x16xf32> to vector<16xf32>
        %parallel_loop3A_368 = vector.shape_cast %parallel_loop3A_363 : vector<16xf32> to vector<1x16xf32>
        tpu.vector_store %arg10[%parallel_loop3A_364, %parallel_loop3A_365], %parallel_loop3A_368 {add = true, strides = array<i32>} : memref<40x512xf32, #tpu.memory_space<vmem>>, vector<1x16xf32>,
        %parallel_loop3A_369 = arith.constant 336 : i32
        %parallel_loop3A_370 = arith.addi %parallel_loop3A_158, %parallel_loop3A_369 : i32
        %parallel_loop3A_371 = arith.index_cast %parallel_loop3A_370 : i32 to index
        %parallel_loop3A_372 = tpu.vector_load %arg7[%parallel_loop3A_371] {strides = array<i32>} : memref<51200xf32, #tpu.memory_space<vmem>>, vector<16xf32>,
        %parallel_loop3A_373 = vector.shape_cast %parallel_loop3A_372 : vector<16xf32> to vector<16xf32>
        %parallel_loop3A_374 = arith.index_cast %parallel_loop3A_149 : i32 to index
        %parallel_loop3A_375 = arith.constant 336 : index
        %parallel_loop3A_376 = tpu.vector_load %arg10[%parallel_loop3A_374, %parallel_loop3A_375] {strides = array<i32>} : memref<40x512xf32, #tpu.memory_space<vmem>>, vector<1x16xf32>,
        %parallel_loop3A_377 = vector.shape_cast %parallel_loop3A_376 : vector<1x16xf32> to vector<16xf32>
        %parallel_loop3A_378 = vector.shape_cast %parallel_loop3A_373 : vector<16xf32> to vector<1x16xf32>
        tpu.vector_store %arg10[%parallel_loop3A_374, %parallel_loop3A_375], %parallel_loop3A_378 {add = true, strides = array<i32>} : memref<40x512xf32, #tpu.memory_space<vmem>>, vector<1x16xf32>,
        %parallel_loop3A_379 = arith.constant 352 : i32
        %parallel_loop3A_380 = arith.addi %parallel_loop3A_158, %parallel_loop3A_379 : i32
        %parallel_loop3A_381 = arith.index_cast %parallel_loop3A_380 : i32 to index
        %parallel_loop3A_382 = tpu.vector_load %arg7[%parallel_loop3A_381] {strides = array<i32>} : memref<51200xf32, #tpu.memory_space<vmem>>, vector<16xf32>,
        %parallel_loop3A_383 = vector.shape_cast %parallel_loop3A_382 : vector<16xf32> to vector<16xf32>
        %parallel_loop3A_384 = arith.index_cast %parallel_loop3A_149 : i32 to index
        %parallel_loop3A_385 = arith.constant 352 : index
        %parallel_loop3A_386 = tpu.vector_load %arg10[%parallel_loop3A_384, %parallel_loop3A_385] {strides = array<i32>} : memref<40x512xf32, #tpu.memory_space<vmem>>, vector<1x16xf32>,
        %parallel_loop3A_387 = vector.shape_cast %parallel_loop3A_386 : vector<1x16xf32> to vector<16xf32>
        %parallel_loop3A_388 = vector.shape_cast %parallel_loop3A_383 : vector<16xf32> to vector<1x16xf32>
        tpu.vector_store %arg10[%parallel_loop3A_384, %parallel_loop3A_385], %parallel_loop3A_388 {add = true, strides = array<i32>} : memref<40x512xf32, #tpu.memory_space<vmem>>, vector<1x16xf32>,
        %parallel_loop3A_389 = arith.constant 368 : i32
        %parallel_loop3A_390 = arith.addi %parallel_loop3A_158, %parallel_loop3A_389 : i32
        %parallel_loop3A_391 = arith.index_cast %parallel_loop3A_390 : i32 to index
        %parallel_loop3A_392 = tpu.vector_load %arg7[%parallel_loop3A_391] {strides = array<i32>} : memref<51200xf32, #tpu.memory_space<vmem>>, vector<16xf32>,
        %parallel_loop3A_393 = vector.shape_cast %parallel_loop3A_392 : vector<16xf32> to vector<16xf32>
        %parallel_loop3A_394 = arith.index_cast %parallel_loop3A_149 : i32 to index
        %parallel_loop3A_395 = arith.constant 368 : index
        %parallel_loop3A_396 = tpu.vector_load %arg10[%parallel_loop3A_394, %parallel_loop3A_395] {strides = array<i32>} : memref<40x512xf32, #tpu.memory_space<vmem>>, vector<1x16xf32>,
        %parallel_loop3A_397 = vector.shape_cast %parallel_loop3A_396 : vector<1x16xf32> to vector<16xf32>
        %parallel_loop3A_398 = vector.shape_cast %parallel_loop3A_393 : vector<16xf32> to vector<1x16xf32>
        tpu.vector_store %arg10[%parallel_loop3A_394, %parallel_loop3A_395], %parallel_loop3A_398 {add = true, strides = array<i32>} : memref<40x512xf32, #tpu.memory_space<vmem>>, vector<1x16xf32>,
        %parallel_loop3A_399 = arith.constant 384 : i32
        %parallel_loop3A_400 = arith.addi %parallel_loop3A_158, %parallel_loop3A_399 : i32
        %parallel_loop3A_401 = arith.index_cast %parallel_loop3A_400 : i32 to index
        %parallel_loop3A_402 = tpu.vector_load %arg7[%parallel_loop3A_401] {strides = array<i32>} : memref<51200xf32, #tpu.memory_space<vmem>>, vector<16xf32>,
        %parallel_loop3A_403 = vector.shape_cast %parallel_loop3A_402 : vector<16xf32> to vector<16xf32>
        %parallel_loop3A_404 = arith.index_cast %parallel_loop3A_149 : i32 to index
        %parallel_loop3A_405 = arith.constant 384 : index
        %parallel_loop3A_406 = tpu.vector_load %arg10[%parallel_loop3A_404, %parallel_loop3A_405] {strides = array<i32>} : memref<40x512xf32, #tpu.memory_space<vmem>>, vector<1x16xf32>,
        %parallel_loop3A_407 = vector.shape_cast %parallel_loop3A_406 : vector<1x16xf32> to vector<16xf32>
        %parallel_loop3A_408 = vector.shape_cast %parallel_loop3A_403 : vector<16xf32> to vector<1x16xf32>
        tpu.vector_store %arg10[%parallel_loop3A_404, %parallel_loop3A_405], %parallel_loop3A_408 {add = true, strides = array<i32>} : memref<40x512xf32, #tpu.memory_space<vmem>>, vector<1x16xf32>,
        %parallel_loop3A_409 = arith.constant 400 : i32
        %parallel_loop3A_410 = arith.addi %parallel_loop3A_158, %parallel_loop3A_409 : i32
        %parallel_loop3A_411 = arith.index_cast %parallel_loop3A_410 : i32 to index
        %parallel_loop3A_412 = tpu.vector_load %arg7[%parallel_loop3A_411] {strides = array<i32>} : memref<51200xf32, #tpu.memory_space<vmem>>, vector<16xf32>,
        %parallel_loop3A_413 = vector.shape_cast %parallel_loop3A_412 : vector<16xf32> to vector<16xf32>
        %parallel_loop3A_414 = arith.index_cast %parallel_loop3A_149 : i32 to index
        %parallel_loop3A_415 = arith.constant 400 : index
        %parallel_loop3A_416 = tpu.vector_load %arg10[%parallel_loop3A_414, %parallel_loop3A_415] {strides = array<i32>} : memref<40x512xf32, #tpu.memory_space<vmem>>, vector<1x16xf32>,
        %parallel_loop3A_417 = vector.shape_cast %parallel_loop3A_416 : vector<1x16xf32> to vector<16xf32>
        %parallel_loop3A_418 = vector.shape_cast %parallel_loop3A_413 : vector<16xf32> to vector<1x16xf32>
        tpu.vector_store %arg10[%parallel_loop3A_414, %parallel_loop3A_415], %parallel_loop3A_418 {add = true, strides = array<i32>} : memref<40x512xf32, #tpu.memory_space<vmem>>, vector<1x16xf32>,
        %parallel_loop3A_419 = arith.constant 416 : i32
        %parallel_loop3A_420 = arith.addi %parallel_loop3A_158, %parallel_loop3A_419 : i32
        %parallel_loop3A_421 = arith.index_cast %parallel_loop3A_420 : i32 to index
        %parallel_loop3A_422 = tpu.vector_load %arg7[%parallel_loop3A_421] {strides = array<i32>} : memref<51200xf32, #tpu.memory_space<vmem>>, vector<16xf32>,
        %parallel_loop3A_423 = vector.shape_cast %parallel_loop3A_422 : vector<16xf32> to vector<16xf32>
        %parallel_loop3A_424 = arith.index_cast %parallel_loop3A_149 : i32 to index
        %parallel_loop3A_425 = arith.constant 416 : index
        %parallel_loop3A_426 = tpu.vector_load %arg10[%parallel_loop3A_424, %parallel_loop3A_425] {strides = array<i32>} : memref<40x512xf32, #tpu.memory_space<vmem>>, vector<1x16xf32>,
        %parallel_loop3A_427 = vector.shape_cast %parallel_loop3A_426 : vector<1x16xf32> to vector<16xf32>
        %parallel_loop3A_428 = vector.shape_cast %parallel_loop3A_423 : vector<16xf32> to vector<1x16xf32>
        tpu.vector_store %arg10[%parallel_loop3A_424, %parallel_loop3A_425], %parallel_loop3A_428 {add = true, strides = array<i32>} : memref<40x512xf32, #tpu.memory_space<vmem>>, vector<1x16xf32>,
        %parallel_loop3A_429 = arith.constant 432 : i32
        %parallel_loop3A_430 = arith.addi %parallel_loop3A_158, %parallel_loop3A_429 : i32
        %parallel_loop3A_431 = arith.index_cast %parallel_loop3A_430 : i32 to index
        %parallel_loop3A_432 = tpu.vector_load %arg7[%parallel_loop3A_431] {strides = array<i32>} : memref<51200xf32, #tpu.memory_space<vmem>>, vector<16xf32>,
        %parallel_loop3A_433 = vector.shape_cast %parallel_loop3A_432 : vector<16xf32> to vector<16xf32>
        %parallel_loop3A_434 = arith.index_cast %parallel_loop3A_149 : i32 to index
        %parallel_loop3A_435 = arith.constant 432 : index
        %parallel_loop3A_436 = tpu.vector_load %arg10[%parallel_loop3A_434, %parallel_loop3A_435] {strides = array<i32>} : memref<40x512xf32, #tpu.memory_space<vmem>>, vector<1x16xf32>,
        %parallel_loop3A_437 = vector.shape_cast %parallel_loop3A_436 : vector<1x16xf32> to vector<16xf32>
        %parallel_loop3A_438 = vector.shape_cast %parallel_loop3A_433 : vector<16xf32> to vector<1x16xf32>
        tpu.vector_store %arg10[%parallel_loop3A_434, %parallel_loop3A_435], %parallel_loop3A_438 {add = true, strides = array<i32>} : memref<40x512xf32, #tpu.memory_space<vmem>>, vector<1x16xf32>,
        %parallel_loop3A_439 = arith.constant 448 : i32
        %parallel_loop3A_440 = arith.addi %parallel_loop3A_158, %parallel_loop3A_439 : i32
        %parallel_loop3A_441 = arith.index_cast %parallel_loop3A_440 : i32 to index
        %parallel_loop3A_442 = tpu.vector_load %arg7[%parallel_loop3A_441] {strides = array<i32>} : memref<51200xf32, #tpu.memory_space<vmem>>, vector<16xf32>,
        %parallel_loop3A_443 = vector.shape_cast %parallel_loop3A_442 : vector<16xf32> to vector<16xf32>
        %parallel_loop3A_444 = arith.index_cast %parallel_loop3A_149 : i32 to index
        %parallel_loop3A_445 = arith.constant 448 : index
        %parallel_loop3A_446 = tpu.vector_load %arg10[%parallel_loop3A_444, %parallel_loop3A_445] {strides = array<i32>} : memref<40x512xf32, #tpu.memory_space<vmem>>, vector<1x16xf32>,
        %parallel_loop3A_447 = vector.shape_cast %parallel_loop3A_446 : vector<1x16xf32> to vector<16xf32>
        %parallel_loop3A_448 = vector.shape_cast %parallel_loop3A_443 : vector<16xf32> to vector<1x16xf32>
        tpu.vector_store %arg10[%parallel_loop3A_444, %parallel_loop3A_445], %parallel_loop3A_448 {add = true, strides = array<i32>} : memref<40x512xf32, #tpu.memory_space<vmem>>, vector<1x16xf32>,
        %parallel_loop3A_449 = arith.constant 464 : i32
        %parallel_loop3A_450 = arith.addi %parallel_loop3A_158, %parallel_loop3A_449 : i32
        %parallel_loop3A_451 = arith.index_cast %parallel_loop3A_450 : i32 to index
        %parallel_loop3A_452 = tpu.vector_load %arg7[%parallel_loop3A_451] {strides = array<i32>} : memref<51200xf32, #tpu.memory_space<vmem>>, vector<16xf32>,
        %parallel_loop3A_453 = vector.shape_cast %parallel_loop3A_452 : vector<16xf32> to vector<16xf32>
        %parallel_loop3A_454 = arith.index_cast %parallel_loop3A_149 : i32 to index
        %parallel_loop3A_455 = arith.constant 464 : index
        %parallel_loop3A_456 = tpu.vector_load %arg10[%parallel_loop3A_454, %parallel_loop3A_455] {strides = array<i32>} : memref<40x512xf32, #tpu.memory_space<vmem>>, vector<1x16xf32>,
        %parallel_loop3A_457 = vector.shape_cast %parallel_loop3A_456 : vector<1x16xf32> to vector<16xf32>
        %parallel_loop3A_458 = vector.shape_cast %parallel_loop3A_453 : vector<16xf32> to vector<1x16xf32>
        tpu.vector_store %arg10[%parallel_loop3A_454, %parallel_loop3A_455], %parallel_loop3A_458 {add = true, strides = array<i32>} : memref<40x512xf32, #tpu.memory_space<vmem>>, vector<1x16xf32>,
        %parallel_loop3A_459 = arith.constant 480 : i32
        %parallel_loop3A_460 = arith.addi %parallel_loop3A_158, %parallel_loop3A_459 : i32
        %parallel_loop3A_461 = arith.index_cast %parallel_loop3A_460 : i32 to index
        %parallel_loop3A_462 = tpu.vector_load %arg7[%parallel_loop3A_461] {strides = array<i32>} : memref<51200xf32, #tpu.memory_space<vmem>>, vector<16xf32>,
        %parallel_loop3A_463 = vector.shape_cast %parallel_loop3A_462 : vector<16xf32> to vector<16xf32>
        %parallel_loop3A_464 = arith.index_cast %parallel_loop3A_149 : i32 to index
        %parallel_loop3A_465 = arith.constant 480 : index
        %parallel_loop3A_466 = tpu.vector_load %arg10[%parallel_loop3A_464, %parallel_loop3A_465] {strides = array<i32>} : memref<40x512xf32, #tpu.memory_space<vmem>>, vector<1x16xf32>,
        %parallel_loop3A_467 = vector.shape_cast %parallel_loop3A_466 : vector<1x16xf32> to vector<16xf32>
        %parallel_loop3A_468 = vector.shape_cast %parallel_loop3A_463 : vector<16xf32> to vector<1x16xf32>
        tpu.vector_store %arg10[%parallel_loop3A_464, %parallel_loop3A_465], %parallel_loop3A_468 {add = true, strides = array<i32>} : memref<40x512xf32, #tpu.memory_space<vmem>>, vector<1x16xf32>,
        %parallel_loop3A_469 = arith.constant 496 : i32
        %parallel_loop3A_470 = arith.addi %parallel_loop3A_158, %parallel_loop3A_469 : i32
        %parallel_loop3A_471 = arith.index_cast %parallel_loop3A_470 : i32 to index
        %parallel_loop3A_472 = tpu.vector_load %arg7[%parallel_loop3A_471] {strides = array<i32>} : memref<51200xf32, #tpu.memory_space<vmem>>, vector<16xf32>,
        %parallel_loop3A_473 = vector.shape_cast %parallel_loop3A_472 : vector<16xf32> to vector<16xf32>
        %parallel_loop3A_474 = arith.index_cast %parallel_loop3A_149 : i32 to index
        %parallel_loop3A_475 = arith.constant 496 : index
        %parallel_loop3A_476 = tpu.vector_load %arg10[%parallel_loop3A_474, %parallel_loop3A_475] {strides = array<i32>} : memref<40x512xf32, #tpu.memory_space<vmem>>, vector<1x16xf32>,
        %parallel_loop3A_477 = vector.shape_cast %parallel_loop3A_476 : vector<1x16xf32> to vector<16xf32>
        %parallel_loop3A_478 = vector.shape_cast %parallel_loop3A_473 : vector<16xf32> to vector<1x16xf32>
        tpu.vector_store %arg10[%parallel_loop3A_474, %parallel_loop3A_475], %parallel_loop3A_478 {add = true, strides = array<i32>} : memref<40x512xf32, #tpu.memory_space<vmem>>, vector<1x16xf32>,
      } {sc.loop_unroll_factor = 1 : i64, sc.parallel_access}
      %dma_start3A_130 = arith.constant 0 : i32
      %dma_start3A_131 = tpu.memref_slice %arg5[%add3A_117, %multiple_of3A_114, %dma_start3A_130] : memref<1024x200x512xf32, #tpu.memory_space<hbm>> -> memref<1x40x512xf32, #tpu.memory_space<hbm>>
      %dma_start3A_132 = tpu.memref_squeeze %dma_start3A_131 : memref<1x40x512xf32, #tpu.memory_space<hbm>> -> memref<40x512xf32, #tpu.memory_space<hbm>>
      %dma_start3A_133 = arith.constant 0 : i32
      %dma_start3A_134 = tpu.memref_slice %arg5[%add3A_117, %multiple_of3A_114, %dma_start3A_133] : memref<1024x200x512xf32, #tpu.memory_space<hbm>> -> memref<1x40x512xf32, #tpu.memory_space<hbm>>
      %dma_start3A_135 = tpu.memref_squeeze %dma_start3A_134 : memref<1x40x512xf32, #tpu.memory_space<hbm>> -> memref<40x512xf32, #tpu.memory_space<hbm>>
      tpu.enqueue_dma source(%arg10 : memref<40x512xf32, #tpu.memory_space<vmem>>) target(%dma_start3A_135 : memref<40x512xf32, #tpu.memory_space<hbm>>) target_semaphore(%arg12 : memref<!tpu.dma_semaphore, #tpu.memory_space<semaphore_mem>>)
      %ge3A_136 = arith.constant 1 : i32
      %ge3A_137 = arith.cmpi sge, %add3A_87, %ge3A_136 : i32
      %convert_element_type3A_138 = arith.extui %ge3A_137 : i1 to i32
      %cond3A_139 = arith.constant 0 : i32
      %cond3A_140 = arith.cmpi ne, %convert_element_type3A_138, %cond3A_139 : i32
      scf.if %cond3A_140 {
        %dma_wait3A_149 = arith.constant 0 : i32
        %dma_wait3A_150 = arith.constant 0 : i32
        %dma_wait3A_151 = arith.constant 0 : i32
        %dma_wait3A_152 = tpu.memref_slice %arg5[%dma_wait3A_149, %dma_wait3A_150, %dma_wait3A_151] : memref<1024x200x512xf32, #tpu.memory_space<hbm>> -> memref<1x40x512xf32, #tpu.memory_space<hbm>>
        %dma_wait3A_153 = tpu.memref_squeeze %dma_wait3A_152 : memref<1x40x512xf32, #tpu.memory_space<hbm>> -> memref<40x512xf32, #tpu.memory_space<hbm>>
        %dma_wait3A_154 = arith.constant 0 : i32
        %dma_wait3A_155 = arith.constant 0 : i32
        %dma_wait3A_156 = tpu.memref_slice %arg5[%dma_wait3A_149, %dma_wait3A_154, %dma_wait3A_155] : memref<1024x200x512xf32, #tpu.memory_space<hbm>> -> memref<1x40x512xf32, #tpu.memory_space<hbm>>
        %dma_wait3A_157 = tpu.memref_squeeze %dma_wait3A_156 : memref<1x40x512xf32, #tpu.memory_space<hbm>> -> memref<40x512xf32, #tpu.memory_space<hbm>>
        tpu.wait_dma2 semaphore(%arg11 : memref<!tpu.dma_semaphore, #tpu.memory_space<semaphore_mem>>) src(%arg9 : memref<40x512xf32, #tpu.memory_space<vmem>>) dst(%dma_wait3A_157 : memref<40x512xf32, #tpu.memory_space<hbm>>)
      } else {
      }
      %add3A_141 = arith.constant 1 : i32
      %add3A_142 = arith.addi %add3A_87, %add3A_141 : i32
      %lt3A_143 = arith.constant 160 : i32
      %lt3A_144 = arith.cmpi slt, %add3A_142, %lt3A_143 : i32
      %convert_element_type3A_145 = arith.extui %lt3A_144 : i1 to i32
      %cond3A_146 = arith.constant 0 : i32
      %cond3A_147 = arith.cmpi ne, %convert_element_type3A_145, %cond3A_146 : i32
      scf.if %cond3A_147 {
        %add3A_149 = arith.constant 1 : i32
        %add3A_150 = arith.addi %add3A_87, %add3A_149 : i32
        %jit3A_151 = arith.constant 32 : i32
        %div3A_152 = arith.divsi %add3A_150, %jit3A_151 : i32
        %sign3A_153 = arith.constant 0 : i32
        %sign3A_154 = arith.cmpi sgt, %add3A_150, %sign3A_153 : i32
        %sign3A_155 = arith.extui %sign3A_154 : i1 to i32
        %sign3A_156 = arith.constant 0 : i32
        %sign3A_157 = arith.cmpi slt, %add3A_150, %sign3A_156 : i32
        %sign3A_158 = arith.extui %sign3A_157 : i1 to i32
        %sign3A_159 = arith.subi %sign3A_155, %sign3A_158 : i32
        %sign3A_160 = arith.constant 0 : i32
        %sign3A_161 = arith.cmpi sgt, %jit3A_151, %sign3A_160 : i32
        %sign3A_162 = arith.extui %sign3A_161 : i1 to i32
        %sign3A_163 = arith.constant 0 : i32
        %sign3A_164 = arith.cmpi slt, %jit3A_151, %sign3A_163 : i32
        %sign3A_165 = arith.extui %sign3A_164 : i1 to i32
        %sign3A_166 = arith.subi %sign3A_162, %sign3A_165 : i32
        %ne3A_167 = arith.cmpi ne, %sign3A_159, %sign3A_166 : i32
        %rem3A_168 = arith.remsi %add3A_150, %jit3A_151 : i32
        %ne3A_169 = arith.constant 0 : i32
        %ne3A_170 = arith.cmpi ne, %rem3A_168, %ne3A_169 : i32
        %and3A_171 = arith.andi %ne3A_167, %ne3A_170 : i1
        %sub3A_172 = arith.constant 1 : i32
        %sub3A_173 = arith.subi %div3A_152, %sub3A_172 : i32
        %select_n3A_174 = arith.select %and3A_171, %sub3A_173, %div3A_152 : i32
        %mul3A_175 = arith.constant 40 : i32
        %mul3A_176 = arith.muli %select_n3A_174, %mul3A_175 : i32
        %multiple_of3A_177 = tpu.assume_multiple %mul3A_176, 8 : i32
        %dma_start3A_178 = arith.constant 0 : i32
        %dma_start3A_179 = tpu.memref_slice %arg8[%multiple_of3A_177, %dma_start3A_178] : memref<200x512xf32, #tpu.memory_space<vmem_shared>> -> memref<40x512xf32, #tpu.memory_space<vmem_shared>>
        %dma_start3A_180 = arith.constant 0 : i32
        %dma_start3A_181 = tpu.memref_slice %arg8[%multiple_of3A_177, %dma_start3A_180] : memref<200x512xf32, #tpu.memory_space<vmem_shared>> -> memref<40x512xf32, #tpu.memory_space<vmem_shared>>
        tpu.enqueue_dma source(%dma_start3A_181 : memref<40x512xf32, #tpu.memory_space<vmem_shared>>) target(%arg9 : memref<40x512xf32, #tpu.memory_space<vmem>>) target_semaphore(%arg13 : memref<!tpu.dma_semaphore, #tpu.memory_space<semaphore_mem>>)
      } else {
      }
      %scan3A_148 = arith.constant 0 : i32
      scf.yield %scan3A_148 : i32
    }
    %scan3A_19 = arith.constant 80 : i32
    %dma_wait3A = arith.constant 0 : i32
    %dma_wait3A_20 = arith.constant 0 : i32
    %dma_wait3A_21 = arith.constant 0 : i32
    %dma_wait3A_22 = tpu.memref_slice %arg5[%dma_wait3A, %dma_wait3A_20, %dma_wait3A_21] : memref<1024x200x512xf32, #tpu.memory_space<hbm>> -> memref<1x40x512xf32, #tpu.memory_space<hbm>>
    %dma_wait3A_23 = tpu.memref_squeeze %dma_wait3A_22 : memref<1x40x512xf32, #tpu.memory_space<hbm>> -> memref<40x512xf32, #tpu.memory_space<hbm>>
    %dma_wait3A_24 = arith.constant 0 : i32
    %dma_wait3A_25 = arith.constant 0 : i32
    %dma_wait3A_26 = tpu.memref_slice %arg5[%dma_wait3A, %dma_wait3A_24, %dma_wait3A_25] : memref<1024x200x512xf32, #tpu.memory_space<hbm>> -> memref<1x40x512xf32, #tpu.memory_space<hbm>>
    %dma_wait3A_27 = tpu.memref_squeeze %dma_wait3A_26 : memref<1x40x512xf32, #tpu.memory_space<hbm>> -> memref<40x512xf32, #tpu.memory_space<hbm>>
    tpu.wait_dma2 semaphore(%arg12 : memref<!tpu.dma_semaphore, #tpu.memory_space<semaphore_mem>>) src(%arg10 : memref<40x512xf32, #tpu.memory_space<vmem>>) dst(%dma_wait3A_27 : memref<40x512xf32, #tpu.memory_space<hbm>>)
    return
  }
}

</mosaic_0001>

<sc_bundles>
// kernel: kernel.3.cloned.1.call-start
scs
__scs_entry_jumppad:
0x0: {  	(pc) =	sbr.rel $0x88, $3  }
0x1: {  	(tag) =	ssettag $0x0;
	lr =	simm.s32 $0x1  }
0x2: {  	[smem:$0x3F9E] =	sst lr;
	_ =	strace $0xD0000000  }
0x3: {  	_ = 	snop  }
0x4: {  	_ = 	snop  }
0x5: {  	_ = 	snop  }
0x6: {  	_ = 	snop  }
0x7: {  	_ = 	snop  }
__scs_overlays_trampoline_lowered:
0x8: {  	[smem:$0x3FAD] =	sst s0  }
0x9: {  	[smem:$0x3FAE] =	sst s1  }
0xa: {  	[smem:$0x3FAF] =	sst s2  }
0xb: {  	[smem:$0x3FB0] =	sst s3  }
0xc: {  	[smem:$0x3FB1] =	sst s4  }
0xd: {  	[smem:$0x3FB2] =	sst s5  }
0xe: {  	[smem:$0x3FB3] =	sst s6  }
0xf: {  	[smem:$0x3FB4] =	sst s7  }
0x10: {  	[smem:$0x3FB5] =	sst s8  }
0x11: {  	[smem:$0x3FB6] =	sst s9;
	s0 =	simm.s32 @!p0 $0x0  }
0x12: {  	s1 =	sld [smem:$0x3F9C];
	s0 =	simm.s32 @p0 $0x1  }
0x13: {  	[smem:$0x3FB7] =	sst s0;
	s0 =	simm.s32 @!p1 $0x0  }
0x14: {  	s2 =	sld [smem:$0x3F9B];
	s0 =	simm.s32 @p1 $0x1  }
0x15: {  	[smem:$0x3FB8] =	sst s0;
	s0 =	simm.s32 @!p2 $0x0  }
0x16: {  	s3 =	sld [smem:$0x3FDB];
	s0 =	simm.s32 @p2 $0x1  }
0x17: {  	s4 =	simm.s32 $0x1BF5;
	[smem:$0x3FBA] =	sst s0  }
0x18: {  	s0 =	sld [smem:$0x3F9D];
	_ =	swait.ge [sflag:s4], $0x0  }
0x19: {  	s7 =	sld [smem:$0x3F9E]  }
0x1a: {  	s8 =	sadd.s32 $0xFFFFE003, lr  }
0x1b: {  	s9 =	sadd.s32 $0xFFFFFEF7, lr;
	s5 =	simm.s32 $0xFFFFFFFF;
	p2 =	slt.u32 s8, $0xFFFFF086  }
0x1c: {  	p1 =	slt.u32 s9, $0xF7A;
	s5 =	simm.s32 @!p2 $0x0  }
0x1d: {  	s5 =	simm.s32 @p1 $0x1;
	p0 =	seq.s32 s7, s2  }
0x1e: {  	s7 =	smul.u32 @!p0 $0xF7A, s2;
	p2 =	seq.s32 @!p0 s5, $0x0  }
0x1f: {  	s9 =	smul.u32 $0xF7A, s1;
	s8 =	simm.s32 @!p0 $0x1BF5;
	p2 =	por !p2, p0  }
0x20: {  	[sflag:s8] =	ssyncset.s32 @!p0 $0xFFFFF086;
	s6 =	sadd.s32 @!p0 s3, s7;
	s7 =	simm.s32 @!p0 $0x108  }
0x21: {  	s3 =	sadd.s32 s3, s9;
	s6 =	sadd.s32 @!p0 $0x88, s6;
	s7 =	simm.s32 @p2 $0x1082  }
0x22: {  	[simem:s7], [sflag:s8] =	dma.local @!p0 [hbm:s6], $0xF7A  }
0x23: {  	s9 =	sor.u32 $0xD0000000, s2;
	s6 =	simm.s32 $0x108;
	_ =	swait.ge @!p0 [sflag:s8], $0x0  }
0x24: {  	s3 =	sadd.s32 $0x88, s3;
	s6 =	simm.s32 @!p1 $0x1082;
	[sflag:s4] =	ssyncset.s32 $0xFFFFF086  }
0x25: {  	[simem:s6], [sflag:s4] =	dma.local [hbm:s3], $0xF7A  }
0x26: {  	[smem:$0x3F9E] =	sst s1;
	(tag) =	ssettag s2;
	_ =	strace s9  }
0x27: {  	s1 =	sld [smem:$0x3FAE]  }
0x28: {  	s2 =	sld [smem:$0x3FAF]  }
0x29: {  	s4 =	sld [smem:$0x3FB1]  }
0x2a: {  	p0 =	seq.s32 s5, $0x0;
	s5 =	sld [smem:$0x3FB2]  }
0x2b: {  	s6 =	sld [smem:$0x3FB3]  }
0x2c: {  	s7 =	sld [smem:$0x3FB4]  }
0x2d: {  	s3 =	simm.s32 $0x108;
	s8 =	sld [smem:$0x3FB5]  }
0x2e: {  	s3 =	simm.s32 @!p0 $0x1082;
	s9 =	sld [smem:$0x3FB6]  }
0x2f: {  	lr =	sadd.s32 s0, s3;
	s0 =	sld [smem:$0x3FAD]  }
0x30: {  	s3 =	sld [smem:$0x3FB0]  }
0x31: {  	[smem:$0x3FB9] =	sst s10  }
0x32: {  	s10 =	sld [smem:$0x3FB7];
	_ =	sdelay $0x3  }
0x33: {  	p0 =	seq.s32 s10, $0x1;
	s10 =	sld [smem:$0x3FB9];
	_ =	sdelay $0x3  }
0x34: {  	[smem:$0x3FB9] =	sst s10  }
0x35: {  	s10 =	sld [smem:$0x3FB8];
	_ =	sdelay $0x3  }
0x36: {  	p1 =	seq.s32 s10, $0x1;
	s10 =	sld [smem:$0x3FB9];
	_ =	sdelay $0x3  }
0x37: {  	[smem:$0x3FB9] =	sst s10  }
0x38: {  	s10 =	sld [smem:$0x3FBA]  }
0x39: {  	_ = 	snop;
	(pc) =	sbr.ind lr, $3  }
0x3a: {  	_ = 	snop  }
0x3b: {  	_ = 	snop  }
0x3c: {  	p2 =	seq.s32 s10, $0x1;
	s10 =	sld [smem:$0x3FB9]  }
0x3d: {  	_ =	shalt  }
0x3e: {  	_ =	shalt  }
0x3f: {  	_ =	shalt  }
0x40: {  	_ =	shalt  }
0x41: {  	_ =	shalt  }
0x42: {  	_ =	shalt  }
0x43: {  	_ =	shalt  }
0x44: {  	_ =	shalt  }
0x45: {  	_ =	shalt  }
0x46: {  	_ =	shalt  }
0x47: {  	_ =	shalt  }
0x48: {  	_ =	shalt  }
0x49: {  	_ =	shalt  }
0x4a: {  	_ =	shalt  }
0x4b: {  	_ =	shalt  }
0x4c: {  	_ =	shalt  }
0x4d: {  	_ =	shalt  }
0x4e: {  	_ =	shalt  }
0x4f: {  	_ =	shalt  }
0x50: {  	_ =	shalt  }
0x51: {  	_ =	shalt  }
0x52: {  	_ =	shalt  }
0x53: {  	_ =	shalt  }
0x54: {  	_ =	shalt  }
0x55: {  	_ =	shalt  }
0x56: {  	_ =	shalt  }
0x57: {  	_ =	shalt  }
0x58: {  	_ =	shalt  }
0x59: {  	_ =	shalt  }
0x5a: {  	_ =	shalt  }
0x5b: {  	_ =	shalt  }
0x5c: {  	_ =	shalt  }
0x5d: {  	_ =	shalt  }
0x5e: {  	_ =	shalt  }
0x5f: {  	_ =	shalt  }
0x60: {  	_ =	shalt  }
0x61: {  	_ =	shalt  }
0x62: {  	_ =	shalt  }
0x63: {  	_ =	shalt  }
0x64: {  	_ =	shalt  }
0x65: {  	_ =	shalt  }
0x66: {  	_ =	shalt  }
0x67: {  	_ =	shalt  }
0x68: {  	_ =	shalt  }
0x69: {  	_ =	shalt  }
0x6a: {  	_ =	shalt  }
0x6b: {  	_ =	shalt  }
0x6c: {  	_ =	shalt  }
0x6d: {  	_ =	shalt  }
0x6e: {  	_ =	shalt  }
0x6f: {  	_ =	shalt  }
0x70: {  	_ =	shalt  }
0x71: {  	_ =	shalt  }
0x72: {  	_ =	shalt  }
0x73: {  	_ =	shalt  }
0x74: {  	_ =	shalt  }
0x75: {  	_ =	shalt  }
0x76: {  	_ =	shalt  }
0x77: {  	_ =	shalt  }
0x78: {  	_ =	shalt  }
0x79: {  	_ =	shalt  }
0x7a: {  	_ =	shalt  }
0x7b: {  	_ =	shalt  }
0x7c: {  	_ =	shalt  }
0x7d: {  	_ =	shalt  }
0x7e: {  	_ =	shalt  }
0x7f: {  	_ =	shalt  }
0x80: {  	_ =	shalt  }
0x81: {  	_ =	shalt  }
0x82: {  	_ =	shalt  }
0x83: {  	_ =	shalt  }
0x84: {  	_ =	shalt  }
0x85: {  	_ =	shalt  }
0x86: {  	_ =	shalt  }
0x87: {  	_ =	shalt  }
.Lfunc_end0:
.L_simem_size_0:
called_computation_lowered:
.L_overlay_start_0:
0x88: {  	s2 =	sld [smem:$0x3FD9]  }
0x89: {  	s3 =	sld [smem:$0x3FFE];
	_ =	sdelay $0x1  }
0x8a: {  	s1 =	srdreg.scid  }
0x8b: {  	s0 =	sand.u32 $0x1, s1  }
0x8c: {  	s17 =	sshll.u32 s0, $0xA;
	s2 =	sadd.s32 s3, s2  }
0x8d: {  	s2 =	sadd.s32 s2, s17  }
0x8e: {  	[smem:$0x3FC5] =	sst s2  }
0x8f: {  	_ = 	snop  }
0x90: {  	s2 =	sld [smem:$0x3FC7]  }
0x91: {  	s18 =	sld [smem:$0x3FD0];
	(tm) =	ssettm $0x1  }
0x92: {  	s4 =	sld [smem:$0x3FFB];
	_ =	sdelay $0x3  }
0x93: {  	_ =	strace s4  }
0x94: {  	s4 =	sld [smem:$0x3FFC];
	_ =	sdelay $0x3  }
0x95: {  	_ =	strace s4  }
0x96: {  	s4 =	sld [smem:$0x3FFD];
	_ =	sdelay $0x3  }
0x97: {  	_ =	strace s4  }
0x98: {  	_ =	strace $0x8FFFFFFF  }
0x99: {  	s19 =	sld [smem:$0x3FDB];
	_ =	sdelay $0x1  }
0x9a: {  	s5 =	simm.s32 $_scs_section_size  }
0x9b: {  	s6 =	simm.s32 $_size__tile_overlayer_lowered;
	s7 =	simm.s32 $_tile_overlayer_lowered  }
0x9c: {  	s22 =	simm.s32 $0x1BFF;
	s21 =	sshll.u32 s7, $0x1;
	s4 =	sadd.s32 s5, s19  }
0x9d: {  	s8 =	simm.s32 $0x0;
	s20 =	sshll.u32 s6, $0x1;
	s6 =	sadd.s32 s21, s4  }
0x9e: {  	[timem:s8], [sflag:s22] =	dma.local [hbm:s6], s20  }
0x9f: {  	_ =	swait.ge [sflag:s22], s20  }
0xa0: {  	s5 =	ssub.s32 $0x0, s20;
	[sflag:s22] =	ssyncset.done $0x0  }
0xa1: {  	[sflag:s22] =	ssyncadd.s32 s5;
	_ =	sdelay $0x1  }
0xa2: {  	s23 =	simm.s32 $0x1B8B  }
0xa3: {  	_ =	swait.ge [sflag:s23], $0x1  }
0xa4: {  	[sflag:s23] =	ssyncset.done $0x0  }
0xa5: {  	s25 =	simm.s32 $0x1B8E;
	s24 =	sld [smem:$0x3FFE];
	[sflag:s23] =	ssyncadd.s32 $0xFFFFFFFF  }
0xa6: {  	s26 =	simm.s32 $execute0_lowered;
	[smem:$0x3FD2] =	sst s25  }
0xa7: {  	s6 =	sshll.u32 s26, $0x1;
	_ =	strace $0x80000046;
	[dreg:$0x1] =	wrdreg $0xFFFFFFFF  }
0xa8: {  	s28 =	simm.s32 $_size_execute0_lowered;
	s4 =	sadd.s32 s4, s6;
	[dreg:$0x0] =	wrdreg $0x0  }
0xa9: {  	s6 =	sshll.u32 s28, $0x1;
	[dreg:$0x2] =	wrdreg s4  }
0xaa: {  	[dreg:$0x3] =	wrdreg s6  }
0xab: {  	[dreg:$0x4] =	wrdreg $0xC0  }
0xac: {  	_ =	task [dreg:s8], $0x5FFFF  }
0xad: {  	[dreg:$0x1] =	wrdreg $0xFFFFFFFF  }
0xae: {  	[dreg:$0x0] =	wrdreg $0x60  }
0xaf: {  	[dreg:$0x2] =	wrdreg s24  }
0xb0: {  	[dreg:$0x3] =	wrdreg s2  }
0xb1: {  	[dreg:$0x4] =	wrdreg s18  }
0xb2: {  	[dreg:$0x5] =	wrdreg $0xE1800  }
0xb3: {  	[dreg:$0x6] =	wrdreg $0x9  }
0xb4: {  	_ =	task.clear_ibuf [dreg:s8], $0x7FFFF;
	_ =	strace $0x90000046  }
0xb5: {  	s29 =	simm.s32 $0x9;
	_ =	strace $0x80000048  }
0xb6: {  	_ =	swait.ge [sflag:s29], $0x1  }
0xb7: {  	[sflag:s29] =	ssyncadd.s32 $0xFFFFFFFF  }
0xb8: {  	_ =	strace $0x90000048  }
0xb9: {  	_ =	sfence  }
0xba: {  	s30 =	sld [smem:$0x0];
	_ =	sdelay $0x2  }
0xbb: {  	s31 =	sshll.u32 s1, $0xD;
	s1 =	sshrl.u32 s1, $0x2  }
0xbc: {  	s3 =	sand.u32 $0x4000, s31;
	s1 =	sadd.s32 s1, s30  }
0xbd: {  	s0 =	sor.u32 s3, s0;
	s1 =	sshll.u32 s1, $0x11  }
0xbe: {  	s0 =	sor.u32 s1, s0  }
0xbf: {  	s0 =	sadd.s32 $0x8F2B, s0  }
0xc0: {  	[sflag:s0] =	ssyncadd.remote.s32 $0x1  }
0xc1: {  	_ =	sfence.sel $0xFFFF  }
0xc2: {  	[dreg:$0x0] =	wrdreg $0xFFFFFFFF;
	(pc) =	sbr.abs _section_cstart, $3  }
0xc3: {  	[dreg:$0x1] =	wrdreg $0xFFFFFFFF  }
0xc4: {  	_ =	task.clear_ibuf [dreg:s8], $0x2FFFF;
	_ =	strace $0x9FFFFFFF  }
0xc5: {  	(tm) =	ssettm $0x7FFFFFFF  }
tec
execute0_lowered:
.L_overlay_start_1:
0x0: {  	(tag) =	ssettag $0x1  }
0x1: {  	s0 =	rddreg [dreg:$0x0]  }
0x2: {  	s1 =	rddreg [dreg:$0x2];
	s2 =	srdreg.scid  }
0x3: {  	s5 =	stileid.u32;
	s3 =	rddreg [dreg:$0x3]  }
0x4: {  	s4 =	simm.s32 $0x0;
	s9 =	simm.s32 $0x5;
	s12 =	simm.s32 $0xFA80  }
0x5: {  	s13 =	simm.s32 $0x3;
	s14 =	simm.s32 $0x14A80;
	s15 =	simm.s32 $0x4  }
0x6: {  	s16 =	simm.s32 $0x1;
	s2 =	sand.u32 $0x1, s2;
	s6 =	sshll.u32 s5, $0x1  }
0x7: {  	s17 =	simm.s32 $0x2;
	s18 =	simm.s32 $0x0;
	s6 =	sor.u32 s2, s6  }
0x8: {  	s19 =	simm.s32 $0x0;
	[smem:$0x7FF] =	sst s4;
	s7 =	smul.u32 $0x320, s6  }
.Ltmp0:
0x9: {  	_ =	strace $0x80000047;
	s2 =	ssub.s32 $0x2, s2;
	(pc) =	sbr.rel .LBB2_1-.Ltmp0, $4  }
0xa: {  	s30 =	sshrl.u32 s2, $0x1;
	s7 =	sadd.s32 s7, s0;
	s0 =	sadd.s32 $0x400, s0  }
0xb: {  	[dreg:$0x5] =	wrdreg s0;
	s0 =	ssub.s32 s2, s30;
	s31 =	sadd.s32 $0x1E00, s7  }
0xc: {  	p0 =	sne.s32 s5, $0x0;
	[dreg:$0x6] =	wrdreg s31;
	s0 =	smax.u32 s0, $0x1  }
0xd: {  	s11 =	sshrl.u32 @!p0 s3, $0x3;
	s6 =	sshll.u32 s6, $0x5;
	[dreg:$0x7] =	wrdreg s0  }
.LBB2_10:
0xe: {  	_ =	swait.ge [sflag:s17], $0x5000  }
0xf: {  	s18 =	sadd.s32 $0x1, s18;
	s0 =	rddreg [dreg:$0x7]  }
0x10: {  	p1 =	sne.s32 s18, s0  }
.Ltmp1:
0x11: {  	_ = 	snop;
	(pc) =	sbr.rel @!p1 .LBB2_11-.Ltmp1, $3  }
0x12: {  	_ =	sdelay $0x1  }
0x13: {  	[sflag:s17] =	ssyncset.done $0x0  }
0x14: {  	[sflag:s17] =	ssyncadd.s32 $0xFFFFB000  }
.LBB2_1:
0x15: {  	s0 =	rddreg [dreg:$0x6]  }
0x16: {  	[tilespmem:s4], [sflag:$0x5] =	stream.linear.gather [hbm4b:s0+s4], $0x1900, $0x38;
	[tilespmem:$0x19A80] =	vst v63  }
0x17: {  	_ =	swait.ge [sflag:s9], $0x1900  }
0x18: {  	[sflag:s9] =	ssyncset.done $0x0  }
0x19: {  	s5 =	simm.s32 $0x1980;
	s31 =	rddreg [dreg:$0x5];
	[sflag:s9] =	ssyncadd.s32 $0xFFFFE700  }
0x1a: {  	[tilespmem:s5], [sflag:$0x5] =	stream.linear.gather [hbm4b:s31+s4], $0xC800, $0x38;
	[tilespmem:$0x19A80] =	vst v63  }
0x1b: {  	_ =	swait.ge [sflag:s9], $0xC800  }
0x1c: {  	[sflag:s9] =	ssyncset.done $0x0  }
0x1d: {  	[sflag:s9] =	ssyncadd.s32 $0xFFFF3800  }
0x1e: {  	s0 =	simm.s32 @!p0 $0x1C05;
	s2 =	rddreg [dreg:$0x1]  }
0x1f: {  	[spmem:s11], [sflag:s0] =	dma.local @!p0 [hbm:s2], $0x3200  }
0x20: {  	s0 =	simm.s32 @!p0 $0x5  }
0x21: {  	_ =	swait.ge @!p0 [sflag:s0], $0x3200  }
0x22: {  	[sflag:s0] =	ssyncset.done @!p0 $0x0  }
0x23: {  	[sflag:s0] =	ssyncadd.s32 @!p0 $0xFFFFCE00  }
0x24: {  	v0 =	vld [tilespmem:s5+$0x0];
	_ =	sdelay $0x3  }
0x25: {  	s0 =	simm.s32 $0x1990  }
0x26: {  	s2 =	simm.s32 $0x10;
	s5 =	simm.s32 $0x1980;
	v1 =	vmul.f32 $2.262741660e+01, v0;
	v0 =	vld [tilespmem:s0+$0x0]  }
.LBB2_2:
0x27: {  	s2 =	sadd.s32 $0x10, s2  }
0x28: {  	[tilespmem:s5+$0x0] =	vst v1;
	s5 =	smov.u32 s0;
	p1 =	slt.u32 s2, $0xC7F0  }
.Ltmp2:
0x29: {  	(pc) =	sbr.rel @p1 .LBB2_2-.Ltmp2, $3  }
0x2a: {  	_ =	sdelay $0x1  }
0x2b: {  	s0 =	sadd.s32 $0x10, s0;
	v1 =	vmul.f32 $2.262741660e+01, v0  }
0x2c: {  	v0 =	vld [tilespmem:s0+$0x0]  }
0x2d: {  	_ =	sdelay $0x3  }
0x2e: {  	v0 =	vmul.f32 $2.262741660e+01, v0  }
0x2f: {  	[tilespmem:s5+$0x0] =	vst v1  }
0x30: {  	[tilespmem:s0+$0x0] =	vst v0  }
0x31: {  	s20 =	simm.s32 $0x0;
	s21 =	simm.s32 $0x0;
	[bflag:$0x0] =	sbarrier.arrive $0xFFFF  }
0x32: {  	[tilespmem:s12], [sflag:$0x3] =	stream.linear.gather [spmem:s3], $0x5000, $0x38;
	[tilespmem:$0x19A80] =	vst v63  }
.LBB2_4:
0x33: {  	s0 =	sand.u32 $0xF, s20  }
0x34: {  	s25 =	sshrl.u32 s21, $0x4;
	s0 =	smul.u32 $0x640, s0  }
0x35: {  	s2 =	smul.u32 $0xA0, s25  }
0x36: {  	_ =	swait.ge [sflag:s13], $0x5000  }
0x37: {  	[sflag:s13] =	ssyncset.done $0x0;
	s0 =	sadd.s32 s2, s0  }
0x38: {  	[sflag:s13] =	ssyncadd.s32 $0xFFFFB000;
	s5 =	sshra.s32 s0, $0x2  }
0x39: {  	v0 =	vld [tilespmem:s5+$0x0];
	_ =	sdelay $0x4  }
0x3a: {  	(v2sf) =	vpush v0, $0x0;
	_ =	sdelay $0xe  }
0x3b: {  	s10 =	spop (v2sf)  }
0x3c: {  	s0 =	sshll.u32 s10, $0xB  }
0x3d: {  	s28 =	sshra.s32 s0, $0x2  }
0x3e: {  	v0 =	vld [tilespmem:s28+$0x1980];
	_ =	sdelay $0x2  }
0x3f: {  	s22 =	sand.u32 $0x7000, s19;
	s23 =	sand.u32 $0x380, s19  }
0x40: {  	s0 =	sor.u32 s23, s22  }
0x41: {  	[tilespmem:s0+$0xFA80] =	vst.add.f32.msk $0xffff, v0  }
0x42: {  	v0 =	vld [tilespmem:s28+$0x1990];
	_ =	sdelay $0x4  }
0x43: {  	[tilespmem:s0+$0xFA90] =	vst.add.f32.msk $0xffff, v0  }
0x44: {  	v0 =	vld [tilespmem:s28+$0x19A0];
	_ =	sdelay $0x4  }
0x45: {  	[tilespmem:s0+$0xFAA0] =	vst.add.f32.msk $0xffff, v0  }
0x46: {  	v0 =	vld [tilespmem:s28+$0x19B0];
	_ =	sdelay $0x4  }
0x47: {  	[tilespmem:s0+$0xFAB0] =	vst.add.f32.msk $0xffff, v0  }
0x48: {  	v0 =	vld [tilespmem:s28+$0x19C0];
	_ =	sdelay $0x4  }
0x49: {  	[tilespmem:s0+$0xFAC0] =	vst.add.f32.msk $0xffff, v0  }
0x4a: {  	v0 =	vld [tilespmem:s28+$0x19D0];
	_ =	sdelay $0x4  }
0x4b: {  	[tilespmem:s0+$0xFAD0] =	vst.add.f32.msk $0xffff, v0  }
0x4c: {  	v0 =	vld [tilespmem:s28+$0x19E0];
	_ =	sdelay $0x2  }
0x4d: {  	s7 =	sadd.s32 $0x1, s5  }
0x4e: {  	v1 =	vld [tilespmem:s7+$0x0]  }
0x4f: {  	[tilespmem:s0+$0xFAE0] =	vst.add.f32.msk $0xffff, v0  }
0x50: {  	v0 =	vld [tilespmem:s28+$0x19F0];
	_ =	sdelay $0x3  }
0x51: {  	(v2sf) =	vpush v1, $0x0  }
0x52: {  	[tilespmem:s0+$0xFAF0] =	vst.add.f32.msk $0xffff, v0  }
0x53: {  	v0 =	vld [tilespmem:s28+$0x1A00];
	_ =	sdelay $0x4  }
0x54: {  	[tilespmem:s0+$0xFE80] =	vst.add.f32.msk $0xffff, v0  }
0x55: {  	v0 =	vld [tilespmem:s28+$0x1A10];
	_ =	sdelay $0x4  }
0x56: {  	[tilespmem:s0+$0xFE90] =	vst.add.f32.msk $0xffff, v0  }
0x57: {  	v0 =	vld [tilespmem:s28+$0x1A20]  }
0x58: {  	s24 =	spop (v2sf)  }
0x59: {  	s2 =	sshll.u32 s24, $0xB  }
0x5a: {  	s23 =	sshra.s32 s2, $0x2  }
0x5b: {  	v1 =	vld [tilespmem:s23+$0x1980]  }
0x5c: {  	[tilespmem:s0+$0xFEA0] =	vst.add.f32.msk $0xffff, v0  }
0x5d: {  	s26 =	simm.s32 $0x200;
	s8 =	simm.s32 $0x80;
	v0 =	vld [tilespmem:s28+$0x1A30]  }
0x5e: {  	s8 =	sand.u32 $0x380, s8;
	s2 =	sand.u32 $0x7000, s26  }
0x5f: {  	s2 =	sor.u32 s8, s2  }
0x60: {  	[tilespmem:s2+$0xFA80] =	vst.add.f32.msk $0xffff, v1  }
0x61: {  	v1 =	vld [tilespmem:s23+$0x1990]  }
0x62: {  	[tilespmem:s0+$0xFEB0] =	vst.add.f32.msk $0xffff, v0  }
0x63: {  	v0 =	vld [tilespmem:s28+$0x1A40];
	_ =	sdelay $0x2  }
0x64: {  	[tilespmem:s2+$0xFA90] =	vst.add.f32.msk $0xffff, v1  }
0x65: {  	v1 =	vld [tilespmem:s23+$0x19A0]  }
0x66: {  	[tilespmem:s0+$0xFEC0] =	vst.add.f32.msk $0xffff, v0  }
0x67: {  	v0 =	vld [tilespmem:s28+$0x1A50];
	_ =	sdelay $0x2  }
0x68: {  	[tilespmem:s2+$0xFAA0] =	vst.add.f32.msk $0xffff, v1  }
0x69: {  	v1 =	vld [tilespmem:s23+$0x19B0]  }
0x6a: {  	[tilespmem:s0+$0xFED0] =	vst.add.f32.msk $0xffff, v0  }
0x6b: {  	v0 =	vld [tilespmem:s28+$0x1A60];
	_ =	sdelay $0x2  }
0x6c: {  	[tilespmem:s2+$0xFAB0] =	vst.add.f32.msk $0xffff, v1  }
0x6d: {  	v1 =	vld [tilespmem:s23+$0x19C0]  }
0x6e: {  	[tilespmem:s0+$0xFEE0] =	vst.add.f32.msk $0xffff, v0  }
0x6f: {  	v0 =	vld [tilespmem:s28+$0x1A70];
	_ =	sdelay $0x2  }
0x70: {  	[tilespmem:s2+$0xFAC0] =	vst.add.f32.msk $0xffff, v1  }
0x71: {  	v1 =	vld [tilespmem:s23+$0x19D0]  }
0x72: {  	[tilespmem:s0+$0xFEF0] =	vst.add.f32.msk $0xffff, v0  }
0x73: {  	v0 =	vld [tilespmem:s28+$0x1A80]  }
0x74: {  	s8 =	sadd.s32 $0x1, s7  }
0x75: {  	v2 =	vld [tilespmem:s8+$0x0]  }
0x76: {  	[tilespmem:s2+$0xFAD0] =	vst.add.f32.msk $0xffff, v1  }
0x77: {  	s26 =	sadd.s32 $0xFA80, s0;
	v1 =	vld [tilespmem:s23+$0x19E0]  }
0x78: {  	[tilespmem:s26+$0x800] =	vst.add.f32.msk $0xffff, v0  }
0x79: {  	v0 =	vld [tilespmem:s28+$0x1A90];
	_ =	sdelay $0x1  }
0x7a: {  	(v2sf) =	vpush v2, $0x0  }
0x7b: {  	[tilespmem:s2+$0xFAE0] =	vst.add.f32.msk $0xffff, v1  }
0x7c: {  	v1 =	vld [tilespmem:s23+$0x19F0]  }
0x7d: {  	[tilespmem:s26+$0x810] =	vst.add.f32.msk $0xffff, v0  }
0x7e: {  	v0 =	vld [tilespmem:s28+$0x1AA0];
	_ =	sdelay $0x2  }
0x7f: {  	[tilespmem:s2+$0xFAF0] =	vst.add.f32.msk $0xffff, v1  }
0x80: {  	v1 =	vld [tilespmem:s23+$0x1A00]  }
0x81: {  	[tilespmem:s26+$0x820] =	vst.add.f32.msk $0xffff, v0  }
0x82: {  	v0 =	vld [tilespmem:s28+$0x1AB0];
	_ =	sdelay $0x2  }
0x83: {  	[tilespmem:s2+$0xFE80] =	vst.add.f32.msk $0xffff, v1  }
0x84: {  	v1 =	vld [tilespmem:s23+$0x1A10]  }
0x85: {  	s10 =	spop (v2sf);
	[tilespmem:s26+$0x830] =	vst.add.f32.msk $0xffff, v0  }
0x86: {  	s7 =	sshll.u32 s10, $0xB;
	v0 =	vld [tilespmem:s28+$0x1AC0]  }
0x87: {  	s29 =	sshra.s32 s7, $0x2  }
0x88: {  	v3 =	vld [tilespmem:s29+$0x1980]  }
0x89: {  	[tilespmem:s2+$0xFE90] =	vst.add.f32.msk $0xffff, v1  }
0x8a: {  	s22 =	simm.s32 $0x400;
	s10 =	simm.s32 $0x100;
	v1 =	vld [tilespmem:s23+$0x1A20]  }
0x8b: {  	s7 =	sand.u32 $0x7000, s22;
	s24 =	sand.u32 $0x380, s10;
	[tilespmem:s26+$0x840] =	vst.add.f32.msk $0xffff, v0  }
0x8c: {  	s31 =	sor.u32 s24, s7;
	v2 =	vld [tilespmem:s28+$0x1AD0]  }
0x8d: {  	[tilespmem:s31+$0xFA80] =	vst.add.f32.msk $0xffff, v3  }
0x8e: {  	v3 =	vld [tilespmem:s29+$0x1990]  }
0x8f: {  	[tilespmem:s2+$0xFEA0] =	vst.add.f32.msk $0xffff, v1  }
0x90: {  	v1 =	vld [tilespmem:s23+$0x1A30]  }
0x91: {  	[tilespmem:s26+$0x850] =	vst.add.f32.msk $0xffff, v2  }
0x92: {  	v2 =	vld [tilespmem:s28+$0x1AE0]  }
0x93: {  	[tilespmem:s31+$0xFA90] =	vst.add.f32.msk $0xffff, v3  }
0x94: {  	v3 =	vld [tilespmem:s29+$0x19A0]  }
0x95: {  	[tilespmem:s2+$0xFEB0] =	vst.add.f32.msk $0xffff, v1  }
0x96: {  	v1 =	vld [tilespmem:s23+$0x1A40]  }
0x97: {  	[tilespmem:s26+$0x860] =	vst.add.f32.msk $0xffff, v2  }
0x98: {  	v2 =	vld [tilespmem:s28+$0x1AF0]  }
0x99: {  	[tilespmem:s31+$0xFAA0] =	vst.add.f32.msk $0xffff, v3  }
0x9a: {  	v3 =	vld [tilespmem:s29+$0x19B0]  }
0x9b: {  	[tilespmem:s2+$0xFEC0] =	vst.add.f32.msk $0xffff, v1  }
0x9c: {  	v1 =	vld [tilespmem:s23+$0x1A50]  }
0x9d: {  	[tilespmem:s26+$0x870] =	vst.add.f32.msk $0xffff, v2  }
0x9e: {  	v2 =	vld [tilespmem:s28+$0x1B00]  }
0x9f: {  	[tilespmem:s31+$0xFAB0] =	vst.add.f32.msk $0xffff, v3  }
0xa0: {  	v3 =	vld [tilespmem:s29+$0x19C0]  }
0xa1: {  	[tilespmem:s2+$0xFED0] =	vst.add.f32.msk $0xffff, v1  }
0xa2: {  	v1 =	vld [tilespmem:s23+$0x1A60]  }
0xa3: {  	[tilespmem:s26+$0xC00] =	vst.add.f32.msk $0xffff, v2  }
0xa4: {  	v2 =	vld [tilespmem:s28+$0x1B10]  }
0xa5: {  	[tilespmem:s31+$0xFAC0] =	vst.add.f32.msk $0xffff, v3  }
0xa6: {  	v3 =	vld [tilespmem:s29+$0x19D0]  }
0xa7: {  	[tilespmem:s2+$0xFEE0] =	vst.add.f32.msk $0xffff, v1  }
0xa8: {  	v1 =	vld [tilespmem:s23+$0x1A70]  }
0xa9: {  	[tilespmem:s26+$0xC10] =	vst.add.f32.msk $0xffff, v2  }
0xaa: {  	v2 =	vld [tilespmem:s28+$0x1B20]  }
0xab: {  	[tilespmem:s31+$0xFAD0] =	vst.add.f32.msk $0xffff, v3  }
0xac: {  	v3 =	vld [tilespmem:s29+$0x19E0]  }
0xad: {  	[tilespmem:s2+$0xFEF0] =	vst.add.f32.msk $0xffff, v1  }
0xae: {  	v1 =	vld [tilespmem:s23+$0x1A80]  }
0xaf: {  	[tilespmem:s26+$0xC20] =	vst.add.f32.msk $0xffff, v2  }
0xb0: {  	v2 =	vld [tilespmem:s28+$0x1B30];
	_ =	sdelay $0x1  }
0xb1: {  	[tilespmem:s31+$0xFAE0] =	vst.add.f32.msk $0xffff, v3;
	s2 =	sadd.s32 $0xFA80, s2  }
0xb2: {  	[tilespmem:s2+$0x800] =	vst.add.f32.msk $0xffff, v1  }
0xb3: {  	v4 =	vld [tilespmem:s23+$0x1A90]  }
0xb4: {  	[tilespmem:s26+$0xC30] =	vst.add.f32.msk $0xffff, v2  }
0xb5: {  	v1 =	vld [tilespmem:s28+$0x1B40]  }
0xb6: {  	v3 =	vld [tilespmem:s29+$0x19F0];
	s0 =	sadd.s32 $0x1, s8  }
0xb7: {  	v0 =	vld [tilespmem:s0+$0x0]  }
0xb8: {  	s30 =	sadd.s32 $0xC8, s5;
	s22 =	sshll.u32 s21, $0x1;
	[tilespmem:s2+$0x810] =	vst.add.f32.msk $0xffff, v4  }
0xb9: {  	s5 =	simm.s32 $0x600;
	s24 =	sand.u32 $0x1E, s22;
	s7 =	simm.s32 $0x800;
	v2 =	vld [tilespmem:s23+$0x1AA0]  }
.LBB2_5:
0xba: {  	p1 =	sne.s32 s7, $0x4E00;
	[tilespmem:s26+$0xC40] =	vst.add.f32.msk $0xffff, v1  }
0xbb: {  	v1 =	vld [tilespmem:s28+$0x1B50]  }
0xbc: {  	(v2sf) =	vpush v0, $0x0;
	[tilespmem:s31+$0xFAF0] =	vst.add.f32.msk $0xffff, v3  }
0xbd: {  	v0 =	vld [tilespmem:s29+$0x1A00]  }
0xbe: {  	[tilespmem:s2+$0x820] =	vst.add.f32.msk $0xffff, v2  }
0xbf: {  	v2 =	vld [tilespmem:s23+$0x1AB0]  }
0xc0: {  	[tilespmem:s26+$0xC50] =	vst.add.f32.msk $0xffff, v1  }
0xc1: {  	v1 =	vld [tilespmem:s28+$0x1B60]  }
0xc2: {  	[tilespmem:s31+$0xFE80] =	vst.add.f32.msk $0xffff, v0  }
0xc3: {  	v0 =	vld [tilespmem:s29+$0x1A10]  }
0xc4: {  	[tilespmem:s2+$0x830] =	vst.add.f32.msk $0xffff, v2  }
0xc5: {  	v2 =	vld [tilespmem:s23+$0x1AC0]  }
0xc6: {  	[tilespmem:s26+$0xC60] =	vst.add.f32.msk $0xffff, v1  }
0xc7: {  	v1 =	vld [tilespmem:s28+$0x1B70];
	s28 =	smov.u32 s23;
	s23 =	smov.u32 s29  }
0xc8: {  	[tilespmem:s31+$0xFE90] =	vst.add.f32.msk $0xffff, v0  }
0xc9: {  	v3 =	vld [tilespmem:s23+$0x1A20]  }
0xca: {  	[tilespmem:s2+$0x840] =	vst.add.f32.msk $0xffff, v2  }
0xcb: {  	s8 =	spop (v2sf);
	v2 =	vld [tilespmem:s28+$0x1AD0]  }
0xcc: {  	s0 =	sadd.s32 $0x1, s0;
	s8 =	sshll.u32 s8, $0xB;
	[tilespmem:s26+$0xC70] =	vst.add.f32.msk $0xffff, v1;
	s26 =	smov.u32 s2  }
0xcd: {  	v0 =	vld [tilespmem:s0+$0x0];
	s29 =	sshra.s32 s8, $0x2  }
0xce: {  	v1 =	vld [tilespmem:s29+$0x1980]  }
0xcf: {  	[tilespmem:s31+$0xFEA0] =	vst.add.f32.msk $0xffff, v3  }
0xd0: {  	s10 =	sadd.s32 $0x80, s10;
	v3 =	vld [tilespmem:s23+$0x1A30]  }
0xd1: {  	s2 =	sand.u32 $0x7000, s5;
	s5 =	smov.u32 s7;
	s8 =	sand.u32 $0x380, s10;
	[tilespmem:s26+$0x850] =	vst.add.f32.msk $0xffff, v2  }
0xd2: {  	s8 =	sor.u32 s8, s2;
	v2 =	vld [tilespmem:s28+$0x1AE0]  }
0xd3: {  	[tilespmem:s8+$0xFA80] =	vst.add.f32.msk $0xffff, v1  }
0xd4: {  	v1 =	vld [tilespmem:s29+$0x1990]  }
0xd5: {  	[tilespmem:s31+$0xFEB0] =	vst.add.f32.msk $0xffff, v3  }
0xd6: {  	v3 =	vld [tilespmem:s23+$0x1A40]  }
0xd7: {  	[tilespmem:s26+$0x860] =	vst.add.f32.msk $0xffff, v2  }
0xd8: {  	v2 =	vld [tilespmem:s28+$0x1AF0]  }
0xd9: {  	[tilespmem:s8+$0xFA90] =	vst.add.f32.msk $0xffff, v1  }
0xda: {  	v1 =	vld [tilespmem:s29+$0x19A0]  }
0xdb: {  	[tilespmem:s31+$0xFEC0] =	vst.add.f32.msk $0xffff, v3  }
0xdc: {  	v3 =	vld [tilespmem:s23+$0x1A50]  }
0xdd: {  	[tilespmem:s26+$0x870] =	vst.add.f32.msk $0xffff, v2  }
0xde: {  	v2 =	vld [tilespmem:s28+$0x1B00]  }
0xdf: {  	[tilespmem:s8+$0xFAA0] =	vst.add.f32.msk $0xffff, v1  }
0xe0: {  	v1 =	vld [tilespmem:s29+$0x19B0]  }
0xe1: {  	[tilespmem:s31+$0xFED0] =	vst.add.f32.msk $0xffff, v3  }
0xe2: {  	v3 =	vld [tilespmem:s23+$0x1A60]  }
0xe3: {  	[tilespmem:s26+$0xC00] =	vst.add.f32.msk $0xffff, v2  }
0xe4: {  	v2 =	vld [tilespmem:s28+$0x1B10]  }
0xe5: {  	[tilespmem:s8+$0xFAB0] =	vst.add.f32.msk $0xffff, v1  }
0xe6: {  	v1 =	vld [tilespmem:s29+$0x19C0]  }
0xe7: {  	[tilespmem:s31+$0xFEE0] =	vst.add.f32.msk $0xffff, v3  }
0xe8: {  	v3 =	vld [tilespmem:s23+$0x1A70]  }
0xe9: {  	[tilespmem:s26+$0xC10] =	vst.add.f32.msk $0xffff, v2  }
0xea: {  	v2 =	vld [tilespmem:s28+$0x1B20]  }
0xeb: {  	[tilespmem:s8+$0xFAC0] =	vst.add.f32.msk $0xffff, v1  }
0xec: {  	v1 =	vld [tilespmem:s29+$0x19D0]  }
0xed: {  	[tilespmem:s31+$0xFEF0] =	vst.add.f32.msk $0xffff, v3  }
0xee: {  	v3 =	vld [tilespmem:s23+$0x1A80]  }
0xef: {  	[tilespmem:s26+$0xC20] =	vst.add.f32.msk $0xffff, v2  }
0xf0: {  	v2 =	vld [tilespmem:s28+$0x1B30]  }
0xf1: {  	[tilespmem:s8+$0xFAD0] =	vst.add.f32.msk $0xffff, v1  }
0xf2: {  	s2 =	sadd.s32 $0xFA80, s31;
	s31 =	smov.u32 s8;
	v4 =	vld [tilespmem:s29+$0x19E0]  }
0xf3: {  	[tilespmem:s2+$0x800] =	vst.add.f32.msk $0xffff, v3  }
0xf4: {  	v5 =	vld [tilespmem:s23+$0x1A90]  }
0xf5: {  	[tilespmem:s26+$0xC30] =	vst.add.f32.msk $0xffff, v2  }
.Ltmp3:
0xf6: {  	v1 =	vld [tilespmem:s28+$0x1B40];
	(pc) =	sbr.rel @p1 .LBB2_5-.Ltmp3, $4  }
0xf7: {  	[tilespmem:s31+$0xFAE0] =	vst.add.f32.msk $0xffff, v4  }
0xf8: {  	v3 =	vld [tilespmem:s29+$0x19F0]  }
0xf9: {  	[tilespmem:s2+$0x810] =	vst.add.f32.msk $0xffff, v5  }
0xfa: {  	s7 =	sadd.s32 $0x200, s7;
	v2 =	vld [tilespmem:s23+$0x1AA0]  }
0xfb: {  	(v2sf) =	vpush v0, $0x0;
	_ =	sdelay $0xe  }
0xfc: {  	s0 =	spop (v2sf)  }
0xfd: {  	s0 =	sshll.u32 s0, $0xB  }
0xfe: {  	s0 =	sshra.s32 s0, $0x2  }
0xff: {  	v0 =	vld [tilespmem:s0+$0x1980];
	_ =	sdelay $0x1  }
0x100: {  	s7 =	sadd.s32 $0x80, s10  }
0x101: {  	s5 =	sand.u32 $0x7000, s5;
	s7 =	sand.u32 $0x380, s7  }
0x102: {  	s7 =	sor.u32 s7, s5  }
0x103: {  	[tilespmem:s7+$0xFA80] =	vst.add.f32.msk $0xffff, v0  }
0x104: {  	v0 =	vld [tilespmem:s0+$0x1990];
	_ =	sdelay $0x4  }
0x105: {  	[tilespmem:s7+$0xFA90] =	vst.add.f32.msk $0xffff, v0  }
0x106: {  	v0 =	vld [tilespmem:s0+$0x19A0];
	_ =	sdelay $0x4  }
0x107: {  	[tilespmem:s7+$0xFAA0] =	vst.add.f32.msk $0xffff, v0  }
0x108: {  	v0 =	vld [tilespmem:s0+$0x19B0];
	_ =	sdelay $0x4  }
0x109: {  	[tilespmem:s7+$0xFAB0] =	vst.add.f32.msk $0xffff, v0  }
0x10a: {  	v0 =	vld [tilespmem:s0+$0x19C0];
	_ =	sdelay $0x4  }
0x10b: {  	[tilespmem:s7+$0xFAC0] =	vst.add.f32.msk $0xffff, v0  }
0x10c: {  	v0 =	vld [tilespmem:s0+$0x19D0];
	_ =	sdelay $0x4  }
0x10d: {  	[tilespmem:s7+$0xFAD0] =	vst.add.f32.msk $0xffff, v0  }
0x10e: {  	v0 =	vld [tilespmem:s0+$0x19E0];
	_ =	sdelay $0x4  }
0x10f: {  	[tilespmem:s7+$0xFAE0] =	vst.add.f32.msk $0xffff, v0  }
0x110: {  	v0 =	vld [tilespmem:s0+$0x19F0];
	_ =	sdelay $0x2  }
0x111: {  	[tilespmem:s31+$0xFAF0] =	vst.add.f32.msk $0xffff, v3  }
0x112: {  	v3 =	vld [tilespmem:s29+$0x1A00]  }
0x113: {  	[tilespmem:s7+$0xFAF0] =	vst.add.f32.msk $0xffff, v0  }
0x114: {  	v0 =	vld [tilespmem:s0+$0x1A00];
	_ =	sdelay $0x2  }
0x115: {  	[tilespmem:s31+$0xFE80] =	vst.add.f32.msk $0xffff, v3  }
0x116: {  	v3 =	vld [tilespmem:s29+$0x1A10]  }
0x117: {  	[tilespmem:s7+$0xFE80] =	vst.add.f32.msk $0xffff, v0  }
0x118: {  	v0 =	vld [tilespmem:s0+$0x1A10];
	_ =	sdelay $0x2  }
0x119: {  	[tilespmem:s31+$0xFE90] =	vst.add.f32.msk $0xffff, v3  }
0x11a: {  	v3 =	vld [tilespmem:s29+$0x1A20]  }
0x11b: {  	[tilespmem:s7+$0xFE90] =	vst.add.f32.msk $0xffff, v0  }
0x11c: {  	v0 =	vld [tilespmem:s0+$0x1A20];
	_ =	sdelay $0x2  }
0x11d: {  	[tilespmem:s31+$0xFEA0] =	vst.add.f32.msk $0xffff, v3  }
0x11e: {  	v3 =	vld [tilespmem:s29+$0x1A30]  }
0x11f: {  	[tilespmem:s7+$0xFEA0] =	vst.add.f32.msk $0xffff, v0  }
0x120: {  	v0 =	vld [tilespmem:s0+$0x1A30];
	_ =	sdelay $0x2  }
0x121: {  	[tilespmem:s31+$0xFEB0] =	vst.add.f32.msk $0xffff, v3  }
0x122: {  	v3 =	vld [tilespmem:s29+$0x1A40]  }
0x123: {  	[tilespmem:s7+$0xFEB0] =	vst.add.f32.msk $0xffff, v0  }
0x124: {  	v0 =	vld [tilespmem:s0+$0x1A40];
	_ =	sdelay $0x2  }
0x125: {  	[tilespmem:s31+$0xFEC0] =	vst.add.f32.msk $0xffff, v3  }
0x126: {  	v3 =	vld [tilespmem:s29+$0x1A50]  }
0x127: {  	[tilespmem:s7+$0xFEC0] =	vst.add.f32.msk $0xffff, v0  }
0x128: {  	v0 =	vld [tilespmem:s0+$0x1A50];
	_ =	sdelay $0x2  }
0x129: {  	[tilespmem:s31+$0xFED0] =	vst.add.f32.msk $0xffff, v3  }
0x12a: {  	v3 =	vld [tilespmem:s29+$0x1A60]  }
0x12b: {  	[tilespmem:s7+$0xFED0] =	vst.add.f32.msk $0xffff, v0  }
0x12c: {  	v0 =	vld [tilespmem:s0+$0x1A60];
	_ =	sdelay $0x2  }
0x12d: {  	[tilespmem:s31+$0xFEE0] =	vst.add.f32.msk $0xffff, v3  }
0x12e: {  	v3 =	vld [tilespmem:s29+$0x1A70]  }
0x12f: {  	[tilespmem:s7+$0xFEE0] =	vst.add.f32.msk $0xffff, v0  }
0x130: {  	v0 =	vld [tilespmem:s0+$0x1A70]  }
0x131: {  	[tilespmem:s26+$0xC40] =	vst.add.f32.msk $0xffff, v1  }
0x132: {  	v1 =	vld [tilespmem:s28+$0x1B50]  }
0x133: {  	[tilespmem:s31+$0xFEF0] =	vst.add.f32.msk $0xffff, v3  }
0x134: {  	v3 =	vld [tilespmem:s29+$0x1A80]  }
0x135: {  	[tilespmem:s7+$0xFEF0] =	vst.add.f32.msk $0xffff, v0  }
0x136: {  	v0 =	vld [tilespmem:s0+$0x1A80]  }
0x137: {  	[tilespmem:s2+$0x820] =	vst.add.f32.msk $0xffff, v2  }
0x138: {  	s5 =	sadd.s32 $0xFA80, s31;
	v2 =	vld [tilespmem:s23+$0x1AB0]  }
0x139: {  	[tilespmem:s5+$0x800] =	vst.add.f32.msk $0xffff, v3  }
0x13a: {  	v3 =	vld [tilespmem:s29+$0x1A90];
	s7 =	sadd.s32 $0xFA80, s7  }
0x13b: {  	[tilespmem:s7+$0x800] =	vst.add.f32.msk $0xffff, v0  }
0x13c: {  	v0 =	vld [tilespmem:s0+$0x1A90]  }
0x13d: {  	[tilespmem:s26+$0xC50] =	vst.add.f32.msk $0xffff, v1  }
0x13e: {  	v1 =	vld [tilespmem:s28+$0x1B60]  }
0x13f: {  	[tilespmem:s5+$0x810] =	vst.add.f32.msk $0xffff, v3  }
0x140: {  	v3 =	vld [tilespmem:s29+$0x1AA0]  }
0x141: {  	[tilespmem:s7+$0x810] =	vst.add.f32.msk $0xffff, v0  }
0x142: {  	v0 =	vld [tilespmem:s0+$0x1AA0]  }
0x143: {  	[tilespmem:s2+$0x830] =	vst.add.f32.msk $0xffff, v2  }
0x144: {  	v2 =	vld [tilespmem:s23+$0x1AC0]  }
0x145: {  	[tilespmem:s5+$0x820] =	vst.add.f32.msk $0xffff, v3  }
0x146: {  	v3 =	vld [tilespmem:s29+$0x1AB0]  }
0x147: {  	[tilespmem:s7+$0x820] =	vst.add.f32.msk $0xffff, v0  }
0x148: {  	v0 =	vld [tilespmem:s0+$0x1AB0]  }
0x149: {  	[tilespmem:s26+$0xC60] =	vst.add.f32.msk $0xffff, v1  }
0x14a: {  	v1 =	vld [tilespmem:s28+$0x1B70]  }
0x14b: {  	[tilespmem:s5+$0x830] =	vst.add.f32.msk $0xffff, v3  }
0x14c: {  	v3 =	vld [tilespmem:s29+$0x1AC0]  }
0x14d: {  	[tilespmem:s7+$0x830] =	vst.add.f32.msk $0xffff, v0  }
0x14e: {  	v0 =	vld [tilespmem:s0+$0x1AC0]  }
0x14f: {  	[tilespmem:s2+$0x840] =	vst.add.f32.msk $0xffff, v2  }
0x150: {  	v2 =	vld [tilespmem:s23+$0x1AD0]  }
0x151: {  	[tilespmem:s5+$0x840] =	vst.add.f32.msk $0xffff, v3  }
0x152: {  	v3 =	vld [tilespmem:s29+$0x1AD0]  }
0x153: {  	[tilespmem:s7+$0x840] =	vst.add.f32.msk $0xffff, v0  }
0x154: {  	v0 =	vld [tilespmem:s0+$0x1AD0]  }
0x155: {  	[tilespmem:s2+$0x850] =	vst.add.f32.msk $0xffff, v2  }
0x156: {  	v2 =	vld [tilespmem:s23+$0x1AE0]  }
0x157: {  	[tilespmem:s5+$0x850] =	vst.add.f32.msk $0xffff, v3  }
0x158: {  	v3 =	vld [tilespmem:s29+$0x1AE0]  }
0x159: {  	[tilespmem:s7+$0x850] =	vst.add.f32.msk $0xffff, v0  }
0x15a: {  	v0 =	vld [tilespmem:s0+$0x1AE0]  }
0x15b: {  	[tilespmem:s2+$0x860] =	vst.add.f32.msk $0xffff, v2  }
0x15c: {  	v2 =	vld [tilespmem:s23+$0x1AF0]  }
0x15d: {  	[tilespmem:s5+$0x860] =	vst.add.f32.msk $0xffff, v3  }
0x15e: {  	v3 =	vld [tilespmem:s29+$0x1AF0]  }
0x15f: {  	[tilespmem:s7+$0x860] =	vst.add.f32.msk $0xffff, v0  }
0x160: {  	v0 =	vld [tilespmem:s0+$0x1AF0]  }
0x161: {  	[tilespmem:s2+$0x870] =	vst.add.f32.msk $0xffff, v2  }
0x162: {  	v2 =	vld [tilespmem:s23+$0x1B00]  }
0x163: {  	[tilespmem:s5+$0x870] =	vst.add.f32.msk $0xffff, v3  }
0x164: {  	v3 =	vld [tilespmem:s29+$0x1B00]  }
0x165: {  	[tilespmem:s7+$0x870] =	vst.add.f32.msk $0xffff, v0  }
0x166: {  	v0 =	vld [tilespmem:s0+$0x1B00]  }
0x167: {  	[tilespmem:s2+$0xC00] =	vst.add.f32.msk $0xffff, v2  }
0x168: {  	v2 =	vld [tilespmem:s23+$0x1B10]  }
0x169: {  	[tilespmem:s5+$0xC00] =	vst.add.f32.msk $0xffff, v3  }
0x16a: {  	v3 =	vld [tilespmem:s29+$0x1B10]  }
0x16b: {  	[tilespmem:s7+$0xC00] =	vst.add.f32.msk $0xffff, v0  }
0x16c: {  	v0 =	vld [tilespmem:s0+$0x1B10]  }
0x16d: {  	[tilespmem:s2+$0xC10] =	vst.add.f32.msk $0xffff, v2  }
0x16e: {  	v2 =	vld [tilespmem:s23+$0x1B20]  }
0x16f: {  	[tilespmem:s5+$0xC10] =	vst.add.f32.msk $0xffff, v3  }
0x170: {  	v3 =	vld [tilespmem:s29+$0x1B20]  }
0x171: {  	[tilespmem:s7+$0xC10] =	vst.add.f32.msk $0xffff, v0  }
0x172: {  	v0 =	vld [tilespmem:s0+$0x1B20]  }
0x173: {  	[tilespmem:s2+$0xC20] =	vst.add.f32.msk $0xffff, v2  }
0x174: {  	v2 =	vld [tilespmem:s23+$0x1B30]  }
0x175: {  	[tilespmem:s5+$0xC20] =	vst.add.f32.msk $0xffff, v3  }
0x176: {  	v3 =	vld [tilespmem:s29+$0x1B30]  }
0x177: {  	[tilespmem:s7+$0xC20] =	vst.add.f32.msk $0xffff, v0  }
0x178: {  	v0 =	vld [tilespmem:s0+$0x1B30]  }
0x179: {  	[tilespmem:s2+$0xC30] =	vst.add.f32.msk $0xffff, v2  }
0x17a: {  	v2 =	vld [tilespmem:s23+$0x1B40]  }
0x17b: {  	[tilespmem:s5+$0xC30] =	vst.add.f32.msk $0xffff, v3  }
0x17c: {  	v3 =	vld [tilespmem:s29+$0x1B40]  }
0x17d: {  	[tilespmem:s7+$0xC30] =	vst.add.f32.msk $0xffff, v0  }
0x17e: {  	v0 =	vld [tilespmem:s0+$0x1B40]  }
0x17f: {  	[tilespmem:s2+$0xC40] =	vst.add.f32.msk $0xffff, v2  }
0x180: {  	v2 =	vld [tilespmem:s23+$0x1B50]  }
0x181: {  	[tilespmem:s5+$0xC40] =	vst.add.f32.msk $0xffff, v3  }
0x182: {  	v3 =	vld [tilespmem:s29+$0x1B50]  }
0x183: {  	[tilespmem:s7+$0xC40] =	vst.add.f32.msk $0xffff, v0  }
0x184: {  	v0 =	vld [tilespmem:s0+$0x1B50]  }
0x185: {  	[tilespmem:s2+$0xC50] =	vst.add.f32.msk $0xffff, v2  }
0x186: {  	v2 =	vld [tilespmem:s23+$0x1B60]  }
0x187: {  	[tilespmem:s5+$0xC50] =	vst.add.f32.msk $0xffff, v3  }
0x188: {  	v3 =	vld [tilespmem:s29+$0x1B60]  }
0x189: {  	[tilespmem:s7+$0xC50] =	vst.add.f32.msk $0xffff, v0  }
0x18a: {  	v0 =	vld [tilespmem:s0+$0x1B60]  }
0x18b: {  	[tilespmem:s2+$0xC60] =	vst.add.f32.msk $0xffff, v2  }
0x18c: {  	v2 =	vld [tilespmem:s23+$0x1B70]  }
0x18d: {  	[tilespmem:s5+$0xC60] =	vst.add.f32.msk $0xffff, v3  }
0x18e: {  	v3 =	vld [tilespmem:s29+$0x1B70]  }
0x18f: {  	s8 =	sor.u32 s6, s24;
	[tilespmem:s7+$0xC60] =	vst.add.f32.msk $0xffff, v0  }
0x190: {  	s10 =	smul.u32 $0x19000, s8;
	v0 =	vld [tilespmem:s0+$0x1B70]  }
0x191: {  	s23 =	smul.u32 $0x5000, s25  }
0x192: {  	[tilespmem:s26+$0xC70] =	vst.add.f32.msk $0xffff, v1  }
0x193: {  	[tilespmem:s2+$0xC70] =	vst.add.f32.msk $0xffff, v2;
	s0 =	sadd.s32 s23, s10  }
0x194: {  	[tilespmem:s5+$0xC70] =	vst.add.f32.msk $0xffff, v3;
	s0 =	sshrl.u32 s0, $0x3  }
0x195: {  	p1 =	seq.s32 s21, $0x0;
	s0 =	sadd.s32 s1, s0;
	[tilespmem:s7+$0xC70] =	vst.add.f32.msk $0xffff, v0  }
0x196: {  	[hbm4b:s0+s4] =	stream.linear.scatter [tilespmem:s12], [sflag:$0x1], $0x5000, $0x38;
	[tilespmem:$0x19A80] =	vst v63  }
0x197: {  	s5 =	smul.u32 $0x14000, s25;
	s0 =	simm.s32 @!p1 $0x2  }
0x198: {  	_ =	swait.ge @!p1 [sflag:s0], $0x5000  }
0x199: {  	s2 =	sshra.s32 s5, $0x2;
	[sflag:s0] =	ssyncset.done @!p1 $0x0  }
0x19a: {  	s7 =	sadd.s32 s2, s3;
	[sflag:s0] =	ssyncadd.s32 @!p1 $0xFFFFB000  }
0x19b: {  	[tilespmem:s14], [sflag:$0x4] =	stream.linear.gather [spmem:s7], $0x5000, $0x38;
	[tilespmem:$0x19A80] =	vst v63  }
0x19c: {  	_ =	swait.ge [sflag:s15], $0x5000  }
0x19d: {  	[sflag:s15] =	ssyncset.done $0x0  }
0x19e: {  	[sflag:s15] =	ssyncadd.s32 $0xFFFFB000  }
0x19f: {  	v0 =	vld [tilespmem:s30+$0x0];
	_ =	sdelay $0x4  }
0x1a0: {  	(v2sf) =	vpush v0, $0x0;
	_ =	sdelay $0xe  }
0x1a1: {  	s8 =	spop (v2sf)  }
0x1a2: {  	s0 =	sshll.u32 s8, $0xB  }
0x1a3: {  	s29 =	sshra.s32 s0, $0x2  }
0x1a4: {  	v0 =	vld [tilespmem:s29+$0x1980];
	_ =	sdelay $0x1  }
0x1a5: {  	s10 =	simm.s32 $0x0  }
0x1a6: {  	s25 =	sand.u32 $0x7000, s10;
	s0 =	sand.u32 $0x380, s10  }
0x1a7: {  	s0 =	sor.u32 s0, s25  }
0x1a8: {  	[tilespmem:s0+$0x14A80] =	vst.add.f32.msk $0xffff, v0  }
0x1a9: {  	v0 =	vld [tilespmem:s29+$0x1990];
	_ =	sdelay $0x2  }
0x1aa: {  	s25 =	sadd.s32 $0x14A80, s0  }
0x1ab: {  	s0 =	sor.u32 $0x10, s25  }
0x1ac: {  	[tilespmem:s0+$0x0] =	vst.add.f32.msk $0xffff, v0  }
0x1ad: {  	v0 =	vld [tilespmem:s29+$0x19A0];
	_ =	sdelay $0x3  }
0x1ae: {  	s26 =	sor.u32 $0x20, s25  }
0x1af: {  	[tilespmem:s26+$0x0] =	vst.add.f32.msk $0xffff, v0  }
0x1b0: {  	v0 =	vld [tilespmem:s29+$0x19B0];
	_ =	sdelay $0x3  }
0x1b1: {  	s2 =	sor.u32 $0x30, s25  }
0x1b2: {  	[tilespmem:s2+$0x0] =	vst.add.f32.msk $0xffff, v0  }
0x1b3: {  	v0 =	vld [tilespmem:s29+$0x19C0];
	_ =	sdelay $0x3  }
0x1b4: {  	s5 =	sor.u32 $0x40, s25  }
0x1b5: {  	[tilespmem:s5+$0x0] =	vst.add.f32.msk $0xffff, v0  }
0x1b6: {  	v0 =	vld [tilespmem:s29+$0x19D0];
	_ =	sdelay $0x3  }
0x1b7: {  	s7 =	sor.u32 $0x50, s25  }
0x1b8: {  	[tilespmem:s7+$0x0] =	vst.add.f32.msk $0xffff, v0  }
0x1b9: {  	v0 =	vld [tilespmem:s29+$0x19E0];
	_ =	sdelay $0x2  }
0x1ba: {  	s0 =	sadd.s32 $0x1, s30  }
0x1bb: {  	s8 =	sor.u32 $0x60, s25;
	v1 =	vld [tilespmem:s0+$0x0]  }
0x1bc: {  	[tilespmem:s8+$0x0] =	vst.add.f32.msk $0xffff, v0  }
0x1bd: {  	v0 =	vld [tilespmem:s29+$0x19F0];
	_ =	sdelay $0x3  }
0x1be: {  	s10 =	sor.u32 $0x70, s25;
	(v2sf) =	vpush v1, $0x0  }
0x1bf: {  	[tilespmem:s10+$0x0] =	vst.add.f32.msk $0xffff, v0  }
0x1c0: {  	v0 =	vld [tilespmem:s29+$0x1A00];
	_ =	sdelay $0x4  }
0x1c1: {  	[tilespmem:s25+$0x400] =	vst.add.f32.msk $0xffff, v0  }
0x1c2: {  	v0 =	vld [tilespmem:s29+$0x1A10];
	_ =	sdelay $0x4  }
0x1c3: {  	[tilespmem:s25+$0x410] =	vst.add.f32.msk $0xffff, v0  }
0x1c4: {  	v0 =	vld [tilespmem:s29+$0x1A20]  }
0x1c5: {  	s26 =	spop (v2sf)  }
0x1c6: {  	s2 =	sshll.u32 s26, $0xB  }
0x1c7: {  	s26 =	sshra.s32 s2, $0x2  }
0x1c8: {  	v1 =	vld [tilespmem:s26+$0x1980]  }
0x1c9: {  	[tilespmem:s25+$0x420] =	vst.add.f32.msk $0xffff, v0  }
0x1ca: {  	s5 =	simm.s32 $0x200;
	s7 =	simm.s32 $0x80;
	v0 =	vld [tilespmem:s29+$0x1A30]  }
0x1cb: {  	s2 =	sand.u32 $0x7000, s5;
	s5 =	sand.u32 $0x380, s7  }
0x1cc: {  	s2 =	sor.u32 s5, s2  }
0x1cd: {  	[tilespmem:s2+$0x14A80] =	vst.add.f32.msk $0xffff, v1  }
0x1ce: {  	v1 =	vld [tilespmem:s26+$0x1990]  }
0x1cf: {  	[tilespmem:s25+$0x430] =	vst.add.f32.msk $0xffff, v0  }
0x1d0: {  	v0 =	vld [tilespmem:s29+$0x1A40]  }
0x1d1: {  	s28 =	sadd.s32 $0x14A80, s2  }
0x1d2: {  	s2 =	sor.u32 $0x10, s28  }
0x1d3: {  	[tilespmem:s2+$0x0] =	vst.add.f32.msk $0xffff, v1  }
0x1d4: {  	v1 =	vld [tilespmem:s26+$0x19A0]  }
0x1d5: {  	[tilespmem:s25+$0x440] =	vst.add.f32.msk $0xffff, v0  }
0x1d6: {  	v0 =	vld [tilespmem:s29+$0x1A50];
	_ =	sdelay $0x1  }
0x1d7: {  	s8 =	sor.u32 $0x20, s28  }
0x1d8: {  	[tilespmem:s8+$0x0] =	vst.add.f32.msk $0xffff, v1  }
0x1d9: {  	v1 =	vld [tilespmem:s26+$0x19B0]  }
0x1da: {  	[tilespmem:s25+$0x450] =	vst.add.f32.msk $0xffff, v0  }
0x1db: {  	v0 =	vld [tilespmem:s29+$0x1A60];
	_ =	sdelay $0x1  }
0x1dc: {  	s10 =	sor.u32 $0x30, s28  }
0x1dd: {  	[tilespmem:s10+$0x0] =	vst.add.f32.msk $0xffff, v1  }
0x1de: {  	v1 =	vld [tilespmem:s26+$0x19C0]  }
0x1df: {  	[tilespmem:s25+$0x460] =	vst.add.f32.msk $0xffff, v0  }
0x1e0: {  	v0 =	vld [tilespmem:s29+$0x1A70];
	_ =	sdelay $0x1  }
0x1e1: {  	s5 =	sor.u32 $0x40, s28  }
0x1e2: {  	[tilespmem:s5+$0x0] =	vst.add.f32.msk $0xffff, v1  }
0x1e3: {  	v1 =	vld [tilespmem:s26+$0x19D0]  }
0x1e4: {  	[tilespmem:s25+$0x470] =	vst.add.f32.msk $0xffff, v0  }
0x1e5: {  	v0 =	vld [tilespmem:s29+$0x1A80]  }
0x1e6: {  	s0 =	sadd.s32 $0x1, s0  }
0x1e7: {  	v2 =	vld [tilespmem:s0+$0x0];
	s7 =	sor.u32 $0x50, s28  }
0x1e8: {  	[tilespmem:s7+$0x0] =	vst.add.f32.msk $0xffff, v1  }
0x1e9: {  	v1 =	vld [tilespmem:s26+$0x19E0]  }
0x1ea: {  	[tilespmem:s25+$0x800] =	vst.add.f32.msk $0xffff, v0  }
0x1eb: {  	v0 =	vld [tilespmem:s29+$0x1A90];
	_ =	sdelay $0x1  }
0x1ec: {  	(v2sf) =	vpush v2, $0x0;
	s8 =	sor.u32 $0x60, s28  }
0x1ed: {  	[tilespmem:s8+$0x0] =	vst.add.f32.msk $0xffff, v1  }
0x1ee: {  	v1 =	vld [tilespmem:s26+$0x19F0]  }
0x1ef: {  	[tilespmem:s25+$0x810] =	vst.add.f32.msk $0xffff, v0  }
0x1f0: {  	v0 =	vld [tilespmem:s29+$0x1AA0];
	_ =	sdelay $0x1  }
0x1f1: {  	s10 =	sor.u32 $0x70, s28  }
0x1f2: {  	[tilespmem:s10+$0x0] =	vst.add.f32.msk $0xffff, v1  }
0x1f3: {  	v1 =	vld [tilespmem:s26+$0x1A00]  }
0x1f4: {  	[tilespmem:s25+$0x820] =	vst.add.f32.msk $0xffff, v0  }
0x1f5: {  	v0 =	vld [tilespmem:s29+$0x1AB0];
	_ =	sdelay $0x2  }
0x1f6: {  	[tilespmem:s28+$0x400] =	vst.add.f32.msk $0xffff, v1  }
0x1f7: {  	v1 =	vld [tilespmem:s26+$0x1A10]  }
0x1f8: {  	s5 =	spop (v2sf);
	[tilespmem:s25+$0x830] =	vst.add.f32.msk $0xffff, v0  }
0x1f9: {  	s7 =	sshll.u32 s5, $0xB;
	v0 =	vld [tilespmem:s29+$0x1AC0]  }
0x1fa: {  	s30 =	sshra.s32 s7, $0x2  }
0x1fb: {  	v3 =	vld [tilespmem:s30+$0x1980]  }
0x1fc: {  	[tilespmem:s28+$0x410] =	vst.add.f32.msk $0xffff, v1  }
0x1fd: {  	s2 =	sadd.s32 $0x1, s0;
	s0 =	simm.s32 $0x100;
	s8 =	simm.s32 $0x400;
	v1 =	vld [tilespmem:s26+$0x1A20]  }
0x1fe: {  	s5 =	sand.u32 $0x7000, s8;
	s10 =	sand.u32 $0x380, s0;
	[tilespmem:s25+$0x840] =	vst.add.f32.msk $0xffff, v0  }
0x1ff: {  	s5 =	sor.u32 s10, s5;
	v2 =	vld [tilespmem:s29+$0x1AD0]  }
0x200: {  	[tilespmem:s5+$0x14A80] =	vst.add.f32.msk $0xffff, v3  }
0x201: {  	v3 =	vld [tilespmem:s30+$0x1990]  }
0x202: {  	[tilespmem:s28+$0x420] =	vst.add.f32.msk $0xffff, v1  }
0x203: {  	v1 =	vld [tilespmem:s26+$0x1A30]  }
0x204: {  	s31 =	sadd.s32 $0x14A80, s5;
	[tilespmem:s25+$0x850] =	vst.add.f32.msk $0xffff, v2  }
0x205: {  	s5 =	sor.u32 $0x10, s31;
	v2 =	vld [tilespmem:s29+$0x1AE0]  }
0x206: {  	[tilespmem:s5+$0x0] =	vst.add.f32.msk $0xffff, v3  }
0x207: {  	v3 =	vld [tilespmem:s30+$0x19A0]  }
0x208: {  	[tilespmem:s28+$0x430] =	vst.add.f32.msk $0xffff, v1  }
0x209: {  	v1 =	vld [tilespmem:s26+$0x1A40]  }
0x20a: {  	[tilespmem:s25+$0x860] =	vst.add.f32.msk $0xffff, v2  }
0x20b: {  	s8 =	sor.u32 $0x20, s31;
	v2 =	vld [tilespmem:s29+$0x1AF0]  }
0x20c: {  	[tilespmem:s8+$0x0] =	vst.add.f32.msk $0xffff, v3  }
0x20d: {  	v3 =	vld [tilespmem:s30+$0x19B0]  }
0x20e: {  	[tilespmem:s28+$0x440] =	vst.add.f32.msk $0xffff, v1  }
0x20f: {  	v1 =	vld [tilespmem:s26+$0x1A50]  }
0x210: {  	[tilespmem:s25+$0x870] =	vst.add.f32.msk $0xffff, v2  }
0x211: {  	s10 =	sor.u32 $0x30, s31;
	v2 =	vld [tilespmem:s29+$0x1B00]  }
0x212: {  	[tilespmem:s10+$0x0] =	vst.add.f32.msk $0xffff, v3  }
0x213: {  	v3 =	vld [tilespmem:s30+$0x19C0]  }
0x214: {  	[tilespmem:s28+$0x450] =	vst.add.f32.msk $0xffff, v1  }
0x215: {  	v1 =	vld [tilespmem:s26+$0x1A60]  }
0x216: {  	[tilespmem:s25+$0xC00] =	vst.add.f32.msk $0xffff, v2  }
0x217: {  	s7 =	sor.u32 $0x40, s31;
	v2 =	vld [tilespmem:s29+$0x1B10]  }
0x218: {  	[tilespmem:s7+$0x0] =	vst.add.f32.msk $0xffff, v3  }
0x219: {  	v3 =	vld [tilespmem:s30+$0x19D0]  }
0x21a: {  	[tilespmem:s28+$0x460] =	vst.add.f32.msk $0xffff, v1  }
0x21b: {  	v1 =	vld [tilespmem:s26+$0x1A70]  }
0x21c: {  	[tilespmem:s25+$0xC10] =	vst.add.f32.msk $0xffff, v2  }
0x21d: {  	s8 =	sor.u32 $0x50, s31;
	v2 =	vld [tilespmem:s29+$0x1B20]  }
0x21e: {  	[tilespmem:s8+$0x0] =	vst.add.f32.msk $0xffff, v3  }
0x21f: {  	v3 =	vld [tilespmem:s30+$0x19E0]  }
0x220: {  	[tilespmem:s28+$0x470] =	vst.add.f32.msk $0xffff, v1  }
0x221: {  	v1 =	vld [tilespmem:s26+$0x1A80]  }
0x222: {  	[tilespmem:s25+$0xC20] =	vst.add.f32.msk $0xffff, v2  }
0x223: {  	v2 =	vld [tilespmem:s29+$0x1B30]  }
0x224: {  	s10 =	sor.u32 $0x60, s31  }
0x225: {  	[tilespmem:s10+$0x0] =	vst.add.f32.msk $0xffff, v3  }
0x226: {  	[tilespmem:s28+$0x800] =	vst.add.f32.msk $0xffff, v1  }
0x227: {  	v4 =	vld [tilespmem:s26+$0x1A90]  }
0x228: {  	[tilespmem:s25+$0xC30] =	vst.add.f32.msk $0xffff, v2  }
0x229: {  	v1 =	vld [tilespmem:s29+$0x1B40]  }
0x22a: {  	v3 =	vld [tilespmem:s30+$0x19F0]  }
0x22b: {  	v0 =	vld [tilespmem:s2+$0x0]  }
0x22c: {  	[tilespmem:s28+$0x810] =	vst.add.f32.msk $0xffff, v4  }
0x22d: {  	s24 =	sor.u32 $0x1, s24;
	s5 =	simm.s32 $0x800;
	s10 =	simm.s32 $0x600;
	v2 =	vld [tilespmem:s26+$0x1AA0]  }
.LBB2_7:
0x22e: {  	p1 =	sne.s32 s5, $0x4E00;
	[tilespmem:s25+$0xC40] =	vst.add.f32.msk $0xffff, v1  }
0x22f: {  	s7 =	sor.u32 $0x70, s31;
	v1 =	vld [tilespmem:s29+$0x1B50]  }
0x230: {  	(v2sf) =	vpush v0, $0x0;
	[tilespmem:s7+$0x0] =	vst.add.f32.msk $0xffff, v3  }
0x231: {  	v0 =	vld [tilespmem:s30+$0x1A00]  }
0x232: {  	[tilespmem:s28+$0x820] =	vst.add.f32.msk $0xffff, v2  }
0x233: {  	v2 =	vld [tilespmem:s26+$0x1AB0]  }
0x234: {  	[tilespmem:s25+$0xC50] =	vst.add.f32.msk $0xffff, v1  }
0x235: {  	v1 =	vld [tilespmem:s29+$0x1B60]  }
0x236: {  	[tilespmem:s31+$0x400] =	vst.add.f32.msk $0xffff, v0  }
0x237: {  	v0 =	vld [tilespmem:s30+$0x1A10]  }
0x238: {  	[tilespmem:s28+$0x830] =	vst.add.f32.msk $0xffff, v2  }
0x239: {  	v2 =	vld [tilespmem:s26+$0x1AC0]  }
0x23a: {  	[tilespmem:s25+$0xC60] =	vst.add.f32.msk $0xffff, v1  }
0x23b: {  	v1 =	vld [tilespmem:s29+$0x1B70];
	s29 =	smov.u32 s26;
	s26 =	smov.u32 s30  }
0x23c: {  	[tilespmem:s31+$0x410] =	vst.add.f32.msk $0xffff, v0  }
0x23d: {  	v3 =	vld [tilespmem:s26+$0x1A20]  }
0x23e: {  	[tilespmem:s28+$0x840] =	vst.add.f32.msk $0xffff, v2  }
0x23f: {  	s7 =	spop (v2sf);
	v2 =	vld [tilespmem:s29+$0x1AD0]  }
0x240: {  	s2 =	sadd.s32 $0x1, s2;
	s7 =	sshll.u32 s7, $0xB;
	[tilespmem:s25+$0xC70] =	vst.add.f32.msk $0xffff, v1;
	s25 =	smov.u32 s28  }
0x241: {  	s28 =	smov.u32 s31;
	v0 =	vld [tilespmem:s2+$0x0];
	s30 =	sshra.s32 s7, $0x2  }
0x242: {  	v1 =	vld [tilespmem:s30+$0x1980]  }
0x243: {  	[tilespmem:s28+$0x420] =	vst.add.f32.msk $0xffff, v3  }
0x244: {  	s0 =	sadd.s32 $0x80, s0;
	v3 =	vld [tilespmem:s26+$0x1A30]  }
0x245: {  	s8 =	sand.u32 $0x380, s0;
	s7 =	sand.u32 $0x7000, s10;
	s10 =	smov.u32 s5;
	[tilespmem:s25+$0x850] =	vst.add.f32.msk $0xffff, v2  }
0x246: {  	s7 =	sor.u32 s8, s7;
	v2 =	vld [tilespmem:s29+$0x1AE0]  }
0x247: {  	[tilespmem:s7+$0x14A80] =	vst.add.f32.msk $0xffff, v1  }
0x248: {  	v1 =	vld [tilespmem:s30+$0x1990]  }
0x249: {  	[tilespmem:s28+$0x430] =	vst.add.f32.msk $0xffff, v3  }
0x24a: {  	v3 =	vld [tilespmem:s26+$0x1A40]  }
0x24b: {  	s31 =	sadd.s32 $0x14A80, s7;
	[tilespmem:s25+$0x860] =	vst.add.f32.msk $0xffff, v2  }
0x24c: {  	s7 =	sor.u32 $0x10, s31;
	v2 =	vld [tilespmem:s29+$0x1AF0]  }
0x24d: {  	[tilespmem:s7+$0x0] =	vst.add.f32.msk $0xffff, v1  }
0x24e: {  	v1 =	vld [tilespmem:s30+$0x19A0]  }
0x24f: {  	[tilespmem:s28+$0x440] =	vst.add.f32.msk $0xffff, v3  }
0x250: {  	v3 =	vld [tilespmem:s26+$0x1A50]  }
0x251: {  	[tilespmem:s25+$0x870] =	vst.add.f32.msk $0xffff, v2  }
0x252: {  	s7 =	sor.u32 $0x20, s31;
	v2 =	vld [tilespmem:s29+$0x1B00]  }
0x253: {  	[tilespmem:s7+$0x0] =	vst.add.f32.msk $0xffff, v1  }
0x254: {  	v1 =	vld [tilespmem:s30+$0x19B0]  }
0x255: {  	[tilespmem:s28+$0x450] =	vst.add.f32.msk $0xffff, v3  }
0x256: {  	v3 =	vld [tilespmem:s26+$0x1A60]  }
0x257: {  	[tilespmem:s25+$0xC00] =	vst.add.f32.msk $0xffff, v2  }
0x258: {  	s7 =	sor.u32 $0x30, s31;
	v2 =	vld [tilespmem:s29+$0x1B10]  }
0x259: {  	[tilespmem:s7+$0x0] =	vst.add.f32.msk $0xffff, v1  }
0x25a: {  	v1 =	vld [tilespmem:s30+$0x19C0]  }
0x25b: {  	[tilespmem:s28+$0x460] =	vst.add.f32.msk $0xffff, v3  }
0x25c: {  	v3 =	vld [tilespmem:s26+$0x1A70]  }
0x25d: {  	[tilespmem:s25+$0xC10] =	vst.add.f32.msk $0xffff, v2  }
0x25e: {  	s7 =	sor.u32 $0x40, s31;
	v2 =	vld [tilespmem:s29+$0x1B20]  }
0x25f: {  	[tilespmem:s7+$0x0] =	vst.add.f32.msk $0xffff, v1  }
0x260: {  	v1 =	vld [tilespmem:s30+$0x19D0]  }
0x261: {  	[tilespmem:s28+$0x470] =	vst.add.f32.msk $0xffff, v3  }
0x262: {  	v3 =	vld [tilespmem:s26+$0x1A80]  }
0x263: {  	[tilespmem:s25+$0xC20] =	vst.add.f32.msk $0xffff, v2  }
0x264: {  	s7 =	sor.u32 $0x50, s31;
	v2 =	vld [tilespmem:s29+$0x1B30]  }
0x265: {  	[tilespmem:s7+$0x0] =	vst.add.f32.msk $0xffff, v1  }
0x266: {  	v4 =	vld [tilespmem:s30+$0x19E0]  }
0x267: {  	[tilespmem:s28+$0x800] =	vst.add.f32.msk $0xffff, v3  }
0x268: {  	v5 =	vld [tilespmem:s26+$0x1A90]  }
0x269: {  	[tilespmem:s25+$0xC30] =	vst.add.f32.msk $0xffff, v2  }
.Ltmp4:
0x26a: {  	s7 =	sor.u32 $0x60, s31;
	v1 =	vld [tilespmem:s29+$0x1B40];
	(pc) =	sbr.rel @p1 .LBB2_7-.Ltmp4, $4  }
0x26b: {  	[tilespmem:s7+$0x0] =	vst.add.f32.msk $0xffff, v4  }
0x26c: {  	v3 =	vld [tilespmem:s30+$0x19F0]  }
0x26d: {  	[tilespmem:s28+$0x810] =	vst.add.f32.msk $0xffff, v5  }
0x26e: {  	s5 =	sadd.s32 $0x200, s5;
	v2 =	vld [tilespmem:s26+$0x1AA0]  }
0x26f: {  	(v2sf) =	vpush v0, $0x0;
	_ =	sdelay $0xe  }
0x270: {  	s2 =	spop (v2sf)  }
0x271: {  	s2 =	sshll.u32 s2, $0xB  }
0x272: {  	s2 =	sshra.s32 s2, $0x2  }
0x273: {  	v63 =	vld [tilespmem:s2+$0x1980];
	_ =	sdelay $0x1  }
0x274: {  	s0 =	sadd.s32 $0x80, s0  }
0x275: {  	s5 =	sand.u32 $0x7000, s10;
	s0 =	sand.u32 $0x380, s0  }
0x276: {  	s0 =	sor.u32 s0, s5  }
0x277: {  	[tilespmem:s0+$0x14A80] =	vst.add.f32.msk $0xffff, v63  }
0x278: {  	v0 =	vld [tilespmem:s2+$0x1990];
	_ =	sdelay $0x2  }
0x279: {  	s0 =	sadd.s32 $0x14A80, s0  }
0x27a: {  	s8 =	sor.u32 $0x10, s0  }
0x27b: {  	[tilespmem:s8+$0x0] =	vst.add.f32.msk $0xffff, v0  }
0x27c: {  	v0 =	vld [tilespmem:s2+$0x19A0];
	_ =	sdelay $0x3  }
0x27d: {  	s10 =	sor.u32 $0x20, s0  }
0x27e: {  	[tilespmem:s10+$0x0] =	vst.add.f32.msk $0xffff, v0  }
0x27f: {  	v0 =	vld [tilespmem:s2+$0x19B0];
	_ =	sdelay $0x3  }
0x280: {  	s7 =	sor.u32 $0x30, s0  }
0x281: {  	[tilespmem:s7+$0x0] =	vst.add.f32.msk $0xffff, v0  }
0x282: {  	v0 =	vld [tilespmem:s2+$0x19C0];
	_ =	sdelay $0x3  }
0x283: {  	s8 =	sor.u32 $0x40, s0  }
0x284: {  	[tilespmem:s8+$0x0] =	vst.add.f32.msk $0xffff, v0  }
0x285: {  	v0 =	vld [tilespmem:s2+$0x19D0];
	_ =	sdelay $0x3  }
0x286: {  	s10 =	sor.u32 $0x50, s0  }
0x287: {  	[tilespmem:s10+$0x0] =	vst.add.f32.msk $0xffff, v0  }
0x288: {  	v0 =	vld [tilespmem:s2+$0x19E0];
	_ =	sdelay $0x3  }
0x289: {  	s7 =	sor.u32 $0x60, s0  }
0x28a: {  	[tilespmem:s7+$0x0] =	vst.add.f32.msk $0xffff, v0  }
0x28b: {  	v0 =	vld [tilespmem:s2+$0x19F0];
	_ =	sdelay $0x1  }
0x28c: {  	s8 =	sor.u32 $0x70, s31  }
0x28d: {  	[tilespmem:s8+$0x0] =	vst.add.f32.msk $0xffff, v3  }
0x28e: {  	v3 =	vld [tilespmem:s30+$0x1A00];
	s10 =	sor.u32 $0x70, s0  }
0x28f: {  	[tilespmem:s10+$0x0] =	vst.add.f32.msk $0xffff, v0  }
0x290: {  	v0 =	vld [tilespmem:s2+$0x1A00];
	_ =	sdelay $0x2  }
0x291: {  	[tilespmem:s31+$0x400] =	vst.add.f32.msk $0xffff, v3  }
0x292: {  	v3 =	vld [tilespmem:s30+$0x1A10]  }
0x293: {  	[tilespmem:s0+$0x400] =	vst.add.f32.msk $0xffff, v0  }
0x294: {  	v0 =	vld [tilespmem:s2+$0x1A10];
	_ =	sdelay $0x2  }
0x295: {  	[tilespmem:s31+$0x410] =	vst.add.f32.msk $0xffff, v3  }
0x296: {  	v3 =	vld [tilespmem:s30+$0x1A20]  }
0x297: {  	[tilespmem:s0+$0x410] =	vst.add.f32.msk $0xffff, v0  }
0x298: {  	v0 =	vld [tilespmem:s2+$0x1A20];
	_ =	sdelay $0x2  }
0x299: {  	[tilespmem:s31+$0x420] =	vst.add.f32.msk $0xffff, v3  }
0x29a: {  	v3 =	vld [tilespmem:s30+$0x1A30]  }
0x29b: {  	[tilespmem:s0+$0x420] =	vst.add.f32.msk $0xffff, v0  }
0x29c: {  	v0 =	vld [tilespmem:s2+$0x1A30];
	_ =	sdelay $0x2  }
0x29d: {  	[tilespmem:s31+$0x430] =	vst.add.f32.msk $0xffff, v3  }
0x29e: {  	v3 =	vld [tilespmem:s30+$0x1A40]  }
0x29f: {  	[tilespmem:s0+$0x430] =	vst.add.f32.msk $0xffff, v0  }
0x2a0: {  	v0 =	vld [tilespmem:s2+$0x1A40];
	_ =	sdelay $0x2  }
0x2a1: {  	[tilespmem:s31+$0x440] =	vst.add.f32.msk $0xffff, v3  }
0x2a2: {  	v3 =	vld [tilespmem:s30+$0x1A50]  }
0x2a3: {  	[tilespmem:s0+$0x440] =	vst.add.f32.msk $0xffff, v0  }
0x2a4: {  	v0 =	vld [tilespmem:s2+$0x1A50];
	_ =	sdelay $0x2  }
0x2a5: {  	[tilespmem:s31+$0x450] =	vst.add.f32.msk $0xffff, v3  }
0x2a6: {  	v3 =	vld [tilespmem:s30+$0x1A60]  }
0x2a7: {  	[tilespmem:s0+$0x450] =	vst.add.f32.msk $0xffff, v0  }
0x2a8: {  	v0 =	vld [tilespmem:s2+$0x1A60];
	_ =	sdelay $0x2  }
0x2a9: {  	[tilespmem:s31+$0x460] =	vst.add.f32.msk $0xffff, v3  }
0x2aa: {  	v3 =	vld [tilespmem:s30+$0x1A70]  }
0x2ab: {  	[tilespmem:s0+$0x460] =	vst.add.f32.msk $0xffff, v0  }
0x2ac: {  	v0 =	vld [tilespmem:s2+$0x1A70]  }
0x2ad: {  	[tilespmem:s25+$0xC40] =	vst.add.f32.msk $0xffff, v1  }
0x2ae: {  	v1 =	vld [tilespmem:s29+$0x1B50]  }
0x2af: {  	[tilespmem:s31+$0x470] =	vst.add.f32.msk $0xffff, v3  }
0x2b0: {  	v3 =	vld [tilespmem:s30+$0x1A80]  }
0x2b1: {  	[tilespmem:s0+$0x470] =	vst.add.f32.msk $0xffff, v0  }
0x2b2: {  	v0 =	vld [tilespmem:s2+$0x1A80]  }
0x2b3: {  	[tilespmem:s28+$0x820] =	vst.add.f32.msk $0xffff, v2  }
0x2b4: {  	v2 =	vld [tilespmem:s26+$0x1AB0]  }
0x2b5: {  	[tilespmem:s31+$0x800] =	vst.add.f32.msk $0xffff, v3  }
0x2b6: {  	v3 =	vld [tilespmem:s30+$0x1A90]  }
0x2b7: {  	[tilespmem:s0+$0x800] =	vst.add.f32.msk $0xffff, v0  }
0x2b8: {  	v0 =	vld [tilespmem:s2+$0x1A90]  }
0x2b9: {  	[tilespmem:s25+$0xC50] =	vst.add.f32.msk $0xffff, v1  }
0x2ba: {  	v1 =	vld [tilespmem:s29+$0x1B60]  }
0x2bb: {  	[tilespmem:s31+$0x810] =	vst.add.f32.msk $0xffff, v3  }
0x2bc: {  	v3 =	vld [tilespmem:s30+$0x1AA0]  }
0x2bd: {  	[tilespmem:s0+$0x810] =	vst.add.f32.msk $0xffff, v0  }
0x2be: {  	v0 =	vld [tilespmem:s2+$0x1AA0]  }
0x2bf: {  	[tilespmem:s28+$0x830] =	vst.add.f32.msk $0xffff, v2  }
0x2c0: {  	v2 =	vld [tilespmem:s26+$0x1AC0]  }
0x2c1: {  	[tilespmem:s31+$0x820] =	vst.add.f32.msk $0xffff, v3  }
0x2c2: {  	v3 =	vld [tilespmem:s30+$0x1AB0]  }
0x2c3: {  	[tilespmem:s0+$0x820] =	vst.add.f32.msk $0xffff, v0  }
0x2c4: {  	v0 =	vld [tilespmem:s2+$0x1AB0]  }
0x2c5: {  	[tilespmem:s25+$0xC60] =	vst.add.f32.msk $0xffff, v1  }
0x2c6: {  	v1 =	vld [tilespmem:s29+$0x1B70]  }
0x2c7: {  	[tilespmem:s31+$0x830] =	vst.add.f32.msk $0xffff, v3  }
0x2c8: {  	v3 =	vld [tilespmem:s30+$0x1AC0]  }
0x2c9: {  	[tilespmem:s0+$0x830] =	vst.add.f32.msk $0xffff, v0  }
0x2ca: {  	v0 =	vld [tilespmem:s2+$0x1AC0]  }
0x2cb: {  	[tilespmem:s28+$0x840] =	vst.add.f32.msk $0xffff, v2  }
0x2cc: {  	v2 =	vld [tilespmem:s26+$0x1AD0]  }
0x2cd: {  	[tilespmem:s31+$0x840] =	vst.add.f32.msk $0xffff, v3  }
0x2ce: {  	v3 =	vld [tilespmem:s30+$0x1AD0]  }
0x2cf: {  	[tilespmem:s0+$0x840] =	vst.add.f32.msk $0xffff, v0  }
0x2d0: {  	v0 =	vld [tilespmem:s2+$0x1AD0]  }
0x2d1: {  	[tilespmem:s28+$0x850] =	vst.add.f32.msk $0xffff, v2  }
0x2d2: {  	v2 =	vld [tilespmem:s26+$0x1AE0]  }
0x2d3: {  	[tilespmem:s31+$0x850] =	vst.add.f32.msk $0xffff, v3  }
0x2d4: {  	v3 =	vld [tilespmem:s30+$0x1AE0]  }
0x2d5: {  	[tilespmem:s0+$0x850] =	vst.add.f32.msk $0xffff, v0  }
0x2d6: {  	v0 =	vld [tilespmem:s2+$0x1AE0]  }
0x2d7: {  	[tilespmem:s28+$0x860] =	vst.add.f32.msk $0xffff, v2  }
0x2d8: {  	v2 =	vld [tilespmem:s26+$0x1AF0]  }
0x2d9: {  	[tilespmem:s31+$0x860] =	vst.add.f32.msk $0xffff, v3  }
0x2da: {  	v3 =	vld [tilespmem:s30+$0x1AF0]  }
0x2db: {  	[tilespmem:s0+$0x860] =	vst.add.f32.msk $0xffff, v0  }
0x2dc: {  	v0 =	vld [tilespmem:s2+$0x1AF0]  }
0x2dd: {  	[tilespmem:s28+$0x870] =	vst.add.f32.msk $0xffff, v2  }
0x2de: {  	v2 =	vld [tilespmem:s26+$0x1B00]  }
0x2df: {  	[tilespmem:s31+$0x870] =	vst.add.f32.msk $0xffff, v3  }
0x2e0: {  	v3 =	vld [tilespmem:s30+$0x1B00]  }
0x2e1: {  	[tilespmem:s0+$0x870] =	vst.add.f32.msk $0xffff, v0  }
0x2e2: {  	v0 =	vld [tilespmem:s2+$0x1B00]  }
0x2e3: {  	[tilespmem:s28+$0xC00] =	vst.add.f32.msk $0xffff, v2  }
0x2e4: {  	v2 =	vld [tilespmem:s26+$0x1B10]  }
0x2e5: {  	[tilespmem:s31+$0xC00] =	vst.add.f32.msk $0xffff, v3  }
0x2e6: {  	v3 =	vld [tilespmem:s30+$0x1B10]  }
0x2e7: {  	[tilespmem:s0+$0xC00] =	vst.add.f32.msk $0xffff, v0  }
0x2e8: {  	v0 =	vld [tilespmem:s2+$0x1B10]  }
0x2e9: {  	[tilespmem:s28+$0xC10] =	vst.add.f32.msk $0xffff, v2  }
0x2ea: {  	v2 =	vld [tilespmem:s26+$0x1B20]  }
0x2eb: {  	[tilespmem:s31+$0xC10] =	vst.add.f32.msk $0xffff, v3  }
0x2ec: {  	v3 =	vld [tilespmem:s30+$0x1B20]  }
0x2ed: {  	[tilespmem:s0+$0xC10] =	vst.add.f32.msk $0xffff, v0  }
0x2ee: {  	v0 =	vld [tilespmem:s2+$0x1B20]  }
0x2ef: {  	[tilespmem:s28+$0xC20] =	vst.add.f32.msk $0xffff, v2  }
0x2f0: {  	v2 =	vld [tilespmem:s26+$0x1B30]  }
0x2f1: {  	[tilespmem:s31+$0xC20] =	vst.add.f32.msk $0xffff, v3  }
0x2f2: {  	v3 =	vld [tilespmem:s30+$0x1B30]  }
0x2f3: {  	[tilespmem:s0+$0xC20] =	vst.add.f32.msk $0xffff, v0  }
0x2f4: {  	v0 =	vld [tilespmem:s2+$0x1B30]  }
0x2f5: {  	[tilespmem:s28+$0xC30] =	vst.add.f32.msk $0xffff, v2  }
0x2f6: {  	v2 =	vld [tilespmem:s26+$0x1B40]  }
0x2f7: {  	[tilespmem:s31+$0xC30] =	vst.add.f32.msk $0xffff, v3  }
0x2f8: {  	v3 =	vld [tilespmem:s30+$0x1B40]  }
0x2f9: {  	[tilespmem:s0+$0xC30] =	vst.add.f32.msk $0xffff, v0  }
0x2fa: {  	v0 =	vld [tilespmem:s2+$0x1B40]  }
0x2fb: {  	[tilespmem:s28+$0xC40] =	vst.add.f32.msk $0xffff, v2  }
0x2fc: {  	v2 =	vld [tilespmem:s26+$0x1B50]  }
0x2fd: {  	[tilespmem:s31+$0xC40] =	vst.add.f32.msk $0xffff, v3  }
0x2fe: {  	v3 =	vld [tilespmem:s30+$0x1B50]  }
0x2ff: {  	[tilespmem:s0+$0xC40] =	vst.add.f32.msk $0xffff, v0  }
0x300: {  	v0 =	vld [tilespmem:s2+$0x1B50]  }
0x301: {  	[tilespmem:s28+$0xC50] =	vst.add.f32.msk $0xffff, v2  }
0x302: {  	v2 =	vld [tilespmem:s26+$0x1B60]  }
0x303: {  	[tilespmem:s31+$0xC50] =	vst.add.f32.msk $0xffff, v3  }
0x304: {  	v3 =	vld [tilespmem:s30+$0x1B60]  }
0x305: {  	[tilespmem:s0+$0xC50] =	vst.add.f32.msk $0xffff, v0  }
0x306: {  	v0 =	vld [tilespmem:s2+$0x1B60]  }
0x307: {  	[tilespmem:s28+$0xC60] =	vst.add.f32.msk $0xffff, v2  }
0x308: {  	v2 =	vld [tilespmem:s26+$0x1B70]  }
0x309: {  	[tilespmem:s31+$0xC60] =	vst.add.f32.msk $0xffff, v3  }
0x30a: {  	v3 =	vld [tilespmem:s30+$0x1B70]  }
0x30b: {  	[tilespmem:s0+$0xC60] =	vst.add.f32.msk $0xffff, v0  }
0x30c: {  	s30 =	sor.u32 s6, s24;
	v0 =	vld [tilespmem:s2+$0x1B70]  }
0x30d: {  	s2 =	smul.u32 $0x19000, s30  }
0x30e: {  	[tilespmem:s25+$0xC70] =	vst.add.f32.msk $0xffff, v1  }
0x30f: {  	[tilespmem:s28+$0xC70] =	vst.add.f32.msk $0xffff, v2;
	s2 =	sadd.s32 s23, s2  }
0x310: {  	p1 =	seq.s32 s21, $0x4F;
	[tilespmem:s31+$0xC70] =	vst.add.f32.msk $0xffff, v3;
	s2 =	sshrl.u32 s2, $0x3  }
.Ltmp5:
0x311: {  	s31 =	sadd.s32 s1, s2;
	[tilespmem:s0+$0xC70] =	vst.add.f32.msk $0xffff, v0;
	(pc) =	sbr.rel @p1 .LBB2_10-.Ltmp5, $4  }
0x312: {  	[hbm4b:s31+s4] =	stream.linear.scatter [tilespmem:s14], [sflag:$0x2], $0x5000, $0x38;
	[tilespmem:$0x19A80] =	vst v63  }
0x313: {  	_ =	swait.ge [sflag:s16], $0x5000  }
0x314: {  	[sflag:s16] =	ssyncset.done $0x0  }
0x315: {  	[sflag:s16] =	ssyncadd.s32 $0xFFFFB000  }
0x316: {  	s0 =	sadd.s32 $0x2, s22  }
0x317: {  	s0 =	sshrl.u32 s0, $0x5  }
0x318: {  	s0 =	smul.u32 $0x14000, s0  }
.Ltmp6:
0x319: {  	_ = 	snop;
	(pc) =	sbr.rel .LBB2_4-.Ltmp6, $4  }
0x31a: {  	_ = 	snop  }
0x31b: {  	s0 =	sshra.s32 s0, $0x2  }
0x31c: {  	s21 =	sadd.s32 $0x1, s21;
	s20 =	sadd.s32 $0x1, s20;
	s0 =	sadd.s32 s0, s3  }
0x31d: {  	[tilespmem:s12], [sflag:$0x3] =	stream.linear.gather [spmem:s0], $0x5000, $0x38;
	[tilespmem:$0x19A80] =	vst v63  }
.LBB2_11:
0x31e: {  	_ =	sfence.sel $0x180000  }
0x31f: {  	[bflag:$0x0] =	sbarrier.arrive $0xFFFF  }
0x320: {  	_ =	strace $0x90000047  }
0x321: {  	[bflag:$0x2] =	sbarrier.arrive $0xFFFF  }
0x322: {  	s0 =	rddreg [dreg:$0x4]  }
0x323: {  	s0 =	sadd.s32 @!p0 $0x100000, s0  }
0x324: {  	[sflag:s0] =	ssyncadd.tile.s32 @!p0 $0x1;
	_ =	shalt  }
.Lfunc_end2:
_tile_overlayer_lowered:
.L_overlay_start_2:
0x325: {  	(tag) =	ssettag $0x2  }
0x326: {  	s0 =	rddreg [dreg:$0x0];
	s2 =	stileid.u32  }
0x327: {  	s1 =	rddreg [dreg:$0x1];
	p0 =	sne.s32 s2, $0x0  }
0x328: {  	s3 =	rddreg [dreg:$0x2];
	[bflag:$0x3] =	sbarrier.arrive $0xFFFF;
	s2 =	simm.s32 @!p0 $0x1C05  }
0x329: {  	[timem:s3], [sflag:s2] =	dma.local @!p0 [hbm:s0], s1  }
0x32a: {  	s0 =	simm.s32 @!p0 $0x5  }
0x32b: {  	_ =	swait.ge @!p0 [sflag:s0], s1  }
0x32c: {  	s1 =	ssub.s32 @!p0 $0x0, s1;
	[sflag:s0] =	ssyncset.done @!p0 $0x0  }
0x32d: {  	[sflag:s0] =	ssyncadd.s32 @!p0 s1  }
0x32e: {  	[bflag:$0x3] =	sbarrier.arrive $0xFFFF  }
0x32f: {  	_ =	shalt  }

</sc_bundles>
